<compile_context>
chip_gen: v7x
topology: tpu7x:2x2x1
jax: 0.10.2.dev20260603
libtpu: 0.0.44.dev20260713+nightly
codegen_flags: <defaults>
</compile_context>

<pallas_src>
import jax
import jax.numpy as jnp
from jax import lax
from jax.experimental import pallas as pl
from jax.experimental.pallas import tpu as pltpu
from jax.experimental.pallas import tpu_sc as plsc

_B = 1024
_N = 100000
_D = 10
_K = 16
_CW = 128
_NC = 782
_NPAD = _NC * _CW
_NCP = 896
_BT = 16
_NW = 32
_QPW = _B // _NW
_BIGI = 1 << 29


def _tc_body(x_ref, xt_ref, gsq_ref, w_ref, b_ref,
             lg_ref, cv_ref, d2_ref):
    q = jnp.dot(x_ref[...], w_ref[...],
                preferred_element_type=jnp.float32) + b_ref[...]
    qsq = jnp.sum(q * q, axis=1, keepdims=True)
    cross = jnp.dot(q, xt_ref[...], preferred_element_type=jnp.float32)
    d2 = qsq - 2.0 * cross + gsq_ref[...]
    d2_ref[...] = d2
    d2r = d2.reshape(_BT, _NC, _CW)
    cv = jnp.min(d2r, axis=2)
    pad = _NCP - _NC
    cv_ref[...] = jnp.concatenate(
        [cv, jnp.full((_BT, pad), jnp.inf, jnp.float32)], axis=1)
    mx = jnp.max(jnp.abs(q), axis=1, keepdims=True)
    lg_ref[...] = jnp.concatenate(
        [q, mx, jnp.zeros((_BT, 5), jnp.float32)], axis=1)


def _sc_body(cmv, lg, d2t, ysg2, adv,
             cvb, qvb, vbuf, ysv, advb, sem1):
    wid = lax.axis_index("s") * 2 + lax.axis_index("c")
    base = wid * _QPW
    pltpu.sync_copy(ysg2, ysv)
    lane = lax.iota(jnp.int32, 16)
    inf16 = jnp.full((16,), jnp.inf, jnp.float32)
    big16 = jnp.full((16,), _BIGI, jnp.int32)

    def merge16(rv, ri, kv, iv):
        ks, js = plsc.sort_key_val(kv, iv)
        kb = lax.rev(ks, (0,))
        ib = lax.rev(js, (0,))
        take = (rv < kb) | ((rv == kb) & (ri < ib))
        mv = jnp.where(take, rv, kb)
        mi = jnp.where(take, ri, ib)
        rv2, ri2 = plsc.sort_key_val(mv, mi)
        return rv2, ri2, jnp.max(rv2, axis=0)

    def q_body(qi, carry):
        acc0, acc1 = carry
        qq = base + qi
        pltpu.sync_copy(cmv.at[qq], cvb)
        pltpu.sync_copy(lg.at[qq], qvb)

        def p1(i, carry):
            rv, ri, th = carry
            kv = cvb[pl.ds(i * 16, 16)]
            iv = i * 16 + lane
            mn = jnp.min(kv, axis=0)
            return lax.cond(
                mn <= th,
                lambda op: merge16(*op),
                lambda op: (op[0], op[1], th),
                (rv, ri, kv, iv))
        rv, cids, _th = lax.fori_loop(0, _NCP // 16, p1,
                                      (inf16, big16, jnp.float32(jnp.inf)))

        cps = []
        for c in range(_K):
            coff = pl.multiple_of(cids[c] * _CW, 8)
            cps.append(pltpu.async_copy(
                d2t.at[qq, pl.ds(coff, _CW)],
                vbuf.at[pl.ds(c * _CW, _CW)], sem1))
        for cp in cps:
            cp.wait()

        qv = qvb[...]
        mxq = qv[_D]

        def p2(c, carry):
            rv2, rp2, th2 = carry
            cvec = jnp.take_along_axis(cids, jnp.full((16,), c, jnp.int32),
                                       axis=0)
            for j in range(_CW // 16):
                off = j * 16
                val = vbuf[pl.ds(c * _CW + off, 16)]
                pk = cvec * _CW + off + lane
                mn = jnp.min(val, axis=0)
                rv2, rp2, th2 = lax.cond(
                    mn <= th2,
                    lambda op: merge16(*op),
                    lambda op, th2=th2: (op[0], op[1], th2),
                    (rv2, rp2, val, pk))
            return rv2, rp2, th2
        rv2, rp2, _th2 = lax.fori_loop(
            0, _K, p2, (inf16, big16, jnp.float32(jnp.inf)))

        labs = plsc.load_gather(ysv, [rp2])
        sgn = jnp.where(labs > 0.0, 1.0, -1.0).astype(jnp.float32)
        votes = jnp.sum(sgn, axis=0)
        a = jnp.sign(votes) * 2.0 * mxq
        acc0 = jnp.where(lane == qi, a, acc0)
        acc1 = jnp.where(lane == qi - 16, a, acc1)
        return acc0, acc1

    zero16 = jnp.zeros((16,), jnp.float32)
    acc0, acc1 = lax.fori_loop(0, _QPW, q_body, (zero16, zero16))
    advb[pl.ds(0, 16)] = acc0
    advb[pl.ds(16, 16)] = acc1
    pltpu.sync_copy(advb, adv.at[pl.ds(base, _QPW)])


@jax.jit
def kernel(x, X, Y, W, b):
    f32 = jnp.float32
    gsqr = jnp.sum(X * X, axis=1)
    gsq = jnp.concatenate([gsqr, jnp.full((_NPAD - _N,), jnp.inf, f32)])
    xt = jnp.pad(X.T, ((0, 0), (0, _NPAD - _N)))
    ysgn = jnp.pad(2.0 * Y.astype(f32) - 1.0, (0, _NPAD - _N))

    lg16, cmv, d2a = pl.pallas_call(
        _tc_body,
        grid=(_B // _BT,),
        in_specs=[
            pl.BlockSpec((_BT, 512), lambda i: (i, 0)),
            pl.BlockSpec((_D, _NPAD), lambda i: (0, 0)),
            pl.BlockSpec((1, _NPAD), lambda i: (0, 0)),
            pl.BlockSpec((512, _D), lambda i: (0, 0)),
            pl.BlockSpec((1, _D), lambda i: (0, 0)),
        ],
        out_specs=[
            pl.BlockSpec((_BT, 16), lambda i: (i, 0)),
            pl.BlockSpec((_BT, _NCP), lambda i: (i, 0)),
            pl.BlockSpec((_BT, _NPAD), lambda i: (i, 0)),
        ],
        out_shape=[
            jax.ShapeDtypeStruct((_B, 16), f32),
            jax.ShapeDtypeStruct((_B, _NCP), f32),
            jax.ShapeDtypeStruct((_B, _NPAD), f32),
        ],
    )(x, xt, gsq.reshape(1, _NPAD), W, b.reshape(1, _D))

    sc_fn = pl.kernel(
        _sc_body,
        out_type=jax.ShapeDtypeStruct((_B,), f32),
        mesh=plsc.VectorSubcoreMesh(core_axis_name="c", subcore_axis_name="s"),
        compiler_params=pltpu.CompilerParams(needs_layout_passes=False),
        scratch_types=[
            pltpu.VMEM((_NCP,), f32),
            pltpu.VMEM((16,), f32),
            pltpu.VMEM((_K * _CW,), f32),
            pltpu.VMEM((_NPAD,), f32),
            pltpu.VMEM((_QPW,), f32),
            pltpu.SemaphoreType.DMA,
        ],
    )
    adv = sc_fn(cmv, lg16, d2a, ysgn)
    return jnp.concatenate([lg16[:, :_D], adv[:, None]], axis=1)

# --- scband reference (transcript-rebuilt; emitter-appended) ---
"""Pipeline reference for scband-defended-model-69733089017907 (READ-ONLY COPY).

The authoritative reference and input builder live on the scoring server;
editing this copy changes nothing except your own understanding.
"""

import jax, jax.numpy as jnp
import numpy as np

K_NEIGHBORS = 16
BIAS = 0.0

def setup_inputs(seed: int = 0) -> dict:
    key = jax.random.key(seed)
    k1, k2, k3, k4, k5 = jax.random.split(key, 5)
    x = jax.random.normal(k1, (1024, 512), dtype=jnp.float32)
    X = jax.random.normal(k2, (100000, 10), dtype=jnp.float32)
    Y = jax.random.randint(k3, (100000,), 0, 2, dtype=jnp.int32)
    W = jax.random.normal(k4, (512, 10), dtype=jnp.float32) * 0.05
    b = jax.random.normal(k5, (10,), dtype=jnp.float32) * 0.05
    return {"x": x, "X": X, "Y": Y, "W": W, "b": b}

def reference(x, X, Y, W, b):
    # Base model (stand-in for MNIST/CIFAR feature extractor head): linear logits
    logits_model = jnp.dot(x, W) + b  # [B, 10]
    # KNN over stored representations X with labels Y in {-1, +1}
    y_signed = 2.0 * Y.astype(jnp.float32) - 1.0  # [N]
    # squared L2 distances [B, N]
    q_sq = jnp.sum(logits_model * logits_model, axis=1, keepdims=True)  # [B,1]
    g_sq = jnp.sum(X * X, axis=1)[None, :]  # [1,N]
    d2 = q_sq - 2.0 * jnp.dot(logits_model, X.T) + g_sq  # [B,N]
    # K nearest = top-K of negative distance
    _, idx = jax.lax.top_k(-d2, K_NEIGHBORS)  # [B,K]
    votes = jnp.sum(jnp.take(y_signed, idx, axis=0), axis=1) + BIAS  # [B]
    logit_adv = jnp.sign(votes) * 2.0 * jnp.max(jnp.abs(logits_model), axis=1)  # [B]
    return jnp.concatenate([logits_model, logit_adv[:, None]], axis=1)  # [B, 11]

if __name__ == "__main__":
    import jax
    _d = setup_inputs()
    print(jax.jit(kernel)(*tuple(_d.values())))

</pallas_src>

<mosaic_0001>
#map = affine_map<(d0, d1) -> (0, 0)>
#map1 = affine_map<(d0, d1) -> (0)>
module attributes {stable_mosaic.version = 14 : i64} {
  func.func @_sc_body(%arg0: i32, %arg1: i32, %arg2: memref<1024x896xf32, #tpu.memory_space<hbm>>, %arg3: memref<1024x16xf32, #tpu.memory_space<hbm>>, %arg4: memref<1024x100096xf32, #tpu.memory_space<hbm>>, %arg5: memref<100096xf32, #tpu.memory_space<hbm>>, %arg6: memref<1024xf32, #tpu.memory_space<hbm>>, %arg7: memref<896xf32, #tpu.memory_space<vmem>>, %arg8: memref<16xf32, #tpu.memory_space<vmem>>, %arg9: memref<2048xf32, #tpu.memory_space<vmem>>, %arg10: memref<100096xf32, #tpu.memory_space<vmem>>, %arg11: memref<32xf32, #tpu.memory_space<vmem>>, %arg12: memref<!tpu.dma_semaphore, #tpu.memory_space<semaphore_mem>>) attributes {dimension_semantics = [#tpu.dimension_semantics<core_parallel>, #tpu.dimension_semantics<subcore_parallel>], iteration_bounds = array<i64: 2, 16>, scalar_prefetch = 0 : i64, scratch_operands = 6 : i64, tpu.core_type = #tpu.core_type<sc_vector_subcore>, window_params = [{transform_indices = #map}, {transform_indices = #map}, {transform_indices = #map}, {transform_indices = #map1}, {transform_indices = #map1}]} {
    %mul3A = arith.constant 2 : i32
    %mul3A_0 = arith.muli %arg1, %mul3A : i32
    %add3A = arith.addi %mul3A_0, %arg0 : i32
    %mul3A_1 = arith.constant 32 : i32
    %mul3A_2 = arith.muli %add3A, %mul3A_1 : i32
    "tpu.region"() ({
      %run_scoped3A = tpu.sem_alloc : memref<!tpu.dma_semaphore, #tpu.memory_space<semaphore_mem>>
      tpu.enqueue_dma source(%arg5 : memref<100096xf32, #tpu.memory_space<hbm>>) target(%arg10 : memref<100096xf32, #tpu.memory_space<vmem>>) target_semaphore(%run_scoped3A : memref<!tpu.dma_semaphore, #tpu.memory_space<semaphore_mem>>)
      tpu.wait_dma2 semaphore(%run_scoped3A : memref<!tpu.dma_semaphore, #tpu.memory_space<semaphore_mem>>) src(%arg5 : memref<100096xf32, #tpu.memory_space<hbm>>) dst(%arg10 : memref<100096xf32, #tpu.memory_space<vmem>>)
      tpu.yield
    }) : () -> ()
    %iota3A = tpu.iota {dimensions = array<i32: 0>} : vector<16xi32>
    %broadcast_in_dim3A = arith.constant 0x7F800000 : f32
    %broadcast_in_dim3A_3 = vector.broadcast %broadcast_in_dim3A : f32 to vector<16xf32>
    %broadcast_in_dim3A_4 = arith.constant 536870912 : i32
    %broadcast_in_dim3A_5 = vector.broadcast %broadcast_in_dim3A_4 : i32 to vector<16xi32>
    %broadcast_in_dim3A_6 = arith.constant 0.000000e+00 : f32
    %broadcast_in_dim3A_7 = vector.broadcast %broadcast_in_dim3A_6 : f32 to vector<16xf32>
    %scan3A = arith.constant 0 : i32
    %scan3A_8 = arith.constant 32 : i32
    %scan3A_9 = arith.addi %scan3A, %scan3A_8 : i32
    %scan3A_10 = arith.constant 1 : i32
    %scan3A_11:2 = scf.for %scan3A_16 = %scan3A to %scan3A_9 step %scan3A_10 iter_args(%scan3A_17 = %broadcast_in_dim3A_7, %scan3A_18 = %broadcast_in_dim3A_7) -> (vector<16xf32>, vector<16xf32>)  : i32 {
      %add3A_19 = arith.addi %mul3A_2, %scan3A_16 : i32
      "tpu.region"() ({
        %run_scoped3A = tpu.sem_alloc : memref<!tpu.dma_semaphore, #tpu.memory_space<semaphore_mem>>
        %dma_start3A_396 = arith.constant 0 : i32
        %dma_start3A_397 = tpu.memref_slice %arg2[%add3A_19, %dma_start3A_396] : memref<1024x896xf32, #tpu.memory_space<hbm>> -> memref<1x896xf32, #tpu.memory_space<hbm>>
        %dma_start3A_398 = tpu.memref_squeeze %dma_start3A_397 : memref<1x896xf32, #tpu.memory_space<hbm>> -> memref<896xf32, #tpu.memory_space<hbm>>
        %dma_start3A_399 = arith.constant 0 : i32
        %dma_start3A_400 = tpu.memref_slice %arg2[%add3A_19, %dma_start3A_399] : memref<1024x896xf32, #tpu.memory_space<hbm>> -> memref<1x896xf32, #tpu.memory_space<hbm>>
        %dma_start3A_401 = tpu.memref_squeeze %dma_start3A_400 : memref<1x896xf32, #tpu.memory_space<hbm>> -> memref<896xf32, #tpu.memory_space<hbm>>
        tpu.enqueue_dma source(%dma_start3A_401 : memref<896xf32, #tpu.memory_space<hbm>>) target(%arg7 : memref<896xf32, #tpu.memory_space<vmem>>) target_semaphore(%run_scoped3A : memref<!tpu.dma_semaphore, #tpu.memory_space<semaphore_mem>>)
        %dma_wait3A_402 = arith.constant 0 : i32
        %dma_wait3A_403 = tpu.memref_slice %arg2[%add3A_19, %dma_wait3A_402] : memref<1024x896xf32, #tpu.memory_space<hbm>> -> memref<1x896xf32, #tpu.memory_space<hbm>>
        %dma_wait3A_404 = tpu.memref_squeeze %dma_wait3A_403 : memref<1x896xf32, #tpu.memory_space<hbm>> -> memref<896xf32, #tpu.memory_space<hbm>>
        %dma_wait3A_405 = arith.constant 0 : i32
        %dma_wait3A_406 = tpu.memref_slice %arg2[%add3A_19, %dma_wait3A_405] : memref<1024x896xf32, #tpu.memory_space<hbm>> -> memref<1x896xf32, #tpu.memory_space<hbm>>
        %dma_wait3A_407 = tpu.memref_squeeze %dma_wait3A_406 : memref<1x896xf32, #tpu.memory_space<hbm>> -> memref<896xf32, #tpu.memory_space<hbm>>
        tpu.wait_dma2 semaphore(%run_scoped3A : memref<!tpu.dma_semaphore, #tpu.memory_space<semaphore_mem>>) src(%dma_wait3A_407 : memref<896xf32, #tpu.memory_space<hbm>>) dst(%arg7 : memref<896xf32, #tpu.memory_space<vmem>>)
        tpu.yield
      }) : () -> ()
      "tpu.region"() ({
        %run_scoped3A = tpu.sem_alloc : memref<!tpu.dma_semaphore, #tpu.memory_space<semaphore_mem>>
        %dma_start3A_396 = arith.constant 0 : i32
        %dma_start3A_397 = tpu.memref_slice %arg3[%add3A_19, %dma_start3A_396] : memref<1024x16xf32, #tpu.memory_space<hbm>> -> memref<1x16xf32, #tpu.memory_space<hbm>>
        %dma_start3A_398 = tpu.memref_squeeze %dma_start3A_397 : memref<1x16xf32, #tpu.memory_space<hbm>> -> memref<16xf32, #tpu.memory_space<hbm>>
        %dma_start3A_399 = arith.constant 0 : i32
        %dma_start3A_400 = tpu.memref_slice %arg3[%add3A_19, %dma_start3A_399] : memref<1024x16xf32, #tpu.memory_space<hbm>> -> memref<1x16xf32, #tpu.memory_space<hbm>>
        %dma_start3A_401 = tpu.memref_squeeze %dma_start3A_400 : memref<1x16xf32, #tpu.memory_space<hbm>> -> memref<16xf32, #tpu.memory_space<hbm>>
        tpu.enqueue_dma source(%dma_start3A_401 : memref<16xf32, #tpu.memory_space<hbm>>) target(%arg8 : memref<16xf32, #tpu.memory_space<vmem>>) target_semaphore(%run_scoped3A : memref<!tpu.dma_semaphore, #tpu.memory_space<semaphore_mem>>)
        %dma_wait3A_402 = arith.constant 0 : i32
        %dma_wait3A_403 = tpu.memref_slice %arg3[%add3A_19, %dma_wait3A_402] : memref<1024x16xf32, #tpu.memory_space<hbm>> -> memref<1x16xf32, #tpu.memory_space<hbm>>
        %dma_wait3A_404 = tpu.memref_squeeze %dma_wait3A_403 : memref<1x16xf32, #tpu.memory_space<hbm>> -> memref<16xf32, #tpu.memory_space<hbm>>
        %dma_wait3A_405 = arith.constant 0 : i32
        %dma_wait3A_406 = tpu.memref_slice %arg3[%add3A_19, %dma_wait3A_405] : memref<1024x16xf32, #tpu.memory_space<hbm>> -> memref<1x16xf32, #tpu.memory_space<hbm>>
        %dma_wait3A_407 = tpu.memref_squeeze %dma_wait3A_406 : memref<1x16xf32, #tpu.memory_space<hbm>> -> memref<16xf32, #tpu.memory_space<hbm>>
        tpu.wait_dma2 semaphore(%run_scoped3A : memref<!tpu.dma_semaphore, #tpu.memory_space<semaphore_mem>>) src(%dma_wait3A_407 : memref<16xf32, #tpu.memory_space<hbm>>) dst(%arg8 : memref<16xf32, #tpu.memory_space<vmem>>)
        tpu.yield
      }) : () -> ()
      %scan3A_20 = arith.constant 0x7F800000 : f32
      %scan3A_21 = arith.constant 0 : i32
      %scan3A_22 = arith.constant 56 : i32
      %scan3A_23 = arith.addi %scan3A_21, %scan3A_22 : i32
      %scan3A_24 = arith.constant 1 : i32
      %scan3A_25:3 = scf.for %scan3A_396 = %scan3A_21 to %scan3A_23 step %scan3A_24 iter_args(%scan3A_397 = %broadcast_in_dim3A_3, %scan3A_398 = %broadcast_in_dim3A_5, %scan3A_399 = %scan3A_20) -> (vector<16xf32>, vector<16xi32>, f32)  : i32 {
        %mul3A_400 = arith.constant 16 : i32
        %mul3A_401 = arith.muli %scan3A_396, %mul3A_400 : i32
        %get3A_402 = arith.index_cast %mul3A_401 : i32 to index
        %get3A_403 = tpu.vector_load %arg7[%get3A_402] {strides = array<i32>} : memref<896xf32, #tpu.memory_space<vmem>>, vector<16xf32>,
        %mul3A_404 = arith.constant 16 : i32
        %mul3A_405 = arith.muli %scan3A_396, %mul3A_404 : i32
        %add3A_406 = vector.broadcast %mul3A_405 : i32 to vector<16xi32>
        %add3A_407 = arith.addi %add3A_406, %iota3A : vector<16xi32>
        %reduce_min3A = arith.constant true
        %reduce_min3A_408 = vector.broadcast %reduce_min3A : i1 to vector<16xi1>
        %reduce_min3A_409 = tpu.scan <min>, %get3A_403 masked %reduce_min3A_408 : vector<16xf32>, vector<16xi1> -> vector<16xf32>
        %reduce_min3A_410 = vector.extract %reduce_min3A_409[15] : f32 from vector<16xf32>
        %le3A = arith.cmpf ole, %reduce_min3A_410, %scan3A_399 : f32
        %convert_element_type3A = arith.extui %le3A : i1 to i32
        %cond3A = arith.constant 0 : i32
        %cond3A_411 = arith.cmpi ne, %convert_element_type3A, %cond3A : i32
        %cond3A_412:3 = scf.if %cond3A_411 -> (vector<16xf32>, vector<16xi32>, f32) {
          %masked_sort3A = arith.constant dense<true> : vector<16xi1>
          %masked_sort3A_413, %masked_sort3A_414, %masked_sort3A_415 = tpu.sort %get3A_403, %add3A_407 masked %masked_sort3A : (vector<16xf32>, vector<16xi32>, vector<16xi1>) -> (vector<16xi1>, vector<16xf32>, vector<16xi32>)
          %rev3A = arith.constant 15 : i32
          %rev3A_416 = vector.broadcast %rev3A : i32 to vector<16xi32>
          %rev3A_417 = tpu.iota {dimensions = array<i32: 0>} : vector<16xi32>
          %rev3A_418 = arith.subi %rev3A_416, %rev3A_417 : vector<16xi32>
          %rev3A_419 = tpu.dynamic_gather %masked_sort3A_414[%rev3A_418] in [0] : vector<16xf32>, vector<16xi32> -> vector<16xf32>
          %rev3A_420 = arith.constant 15 : i32
          %rev3A_421 = vector.broadcast %rev3A_420 : i32 to vector<16xi32>
          %rev3A_422 = tpu.iota {dimensions = array<i32: 0>} : vector<16xi32>
          %rev3A_423 = arith.subi %rev3A_421, %rev3A_422 : vector<16xi32>
          %rev3A_424 = tpu.dynamic_gather %masked_sort3A_415[%rev3A_423] in [0] : vector<16xi32>, vector<16xi32> -> vector<16xi32>
          %lt3A = arith.cmpf olt, %scan3A_397, %rev3A_419 : vector<16xf32>
          %eq3A_425 = arith.cmpf oeq, %scan3A_397, %rev3A_419 : vector<16xf32>
          %lt3A_426 = arith.cmpi slt, %scan3A_398, %rev3A_424 : vector<16xi32>
          %and3A = arith.andi %eq3A_425, %lt3A_426 : vector<16xi1>
          %or3A = arith.ori %lt3A, %and3A : vector<16xi1>
          %select_n3A_427 = arith.select %or3A, %scan3A_397, %rev3A_419 : vector<16xi1>, vector<16xf32>
          %select_n3A_428 = arith.select %or3A, %scan3A_398, %rev3A_424 : vector<16xi1>, vector<16xi32>
          %masked_sort3A_429 = arith.constant dense<true> : vector<16xi1>
          %masked_sort3A_430, %masked_sort3A_431, %masked_sort3A_432 = tpu.sort %select_n3A_427, %select_n3A_428 masked %masked_sort3A_429 : (vector<16xf32>, vector<16xi32>, vector<16xi1>) -> (vector<16xi1>, vector<16xf32>, vector<16xi32>)
          %reduce_max3A = arith.constant true
          %reduce_max3A_433 = vector.broadcast %reduce_max3A : i1 to vector<16xi1>
          %reduce_max3A_434 = tpu.scan <max>, %masked_sort3A_431 masked %reduce_max3A_433 : vector<16xf32>, vector<16xi1> -> vector<16xf32>
          %reduce_max3A_435 = vector.extract %reduce_max3A_434[15] : f32 from vector<16xf32>
          scf.yield %masked_sort3A_431, %masked_sort3A_432, %reduce_max3A_435 : vector<16xf32>, vector<16xi32>, f32
        } else {
          scf.yield %scan3A_397, %scan3A_398, %scan3A_399 : vector<16xf32>, vector<16xi32>, f32
        }
        scf.yield %cond3A_412#0, %cond3A_412#1, %cond3A_412#2 : vector<16xf32>, vector<16xi32>, f32
      }
      %scan3A_26 = arith.constant 56 : i32
      %slice3A = vector.extract_strided_slice %scan3A_25#1 {offsets = [0], sizes = [1], strides = [1]} : vector<16xi32> to vector<1xi32>
      %squeeze3A = vector.extract %slice3A[0] : i32 from vector<1xi32>
      %mul3A_27 = arith.constant 128 : i32
      %mul3A_28 = arith.muli %squeeze3A, %mul3A_27 : i32
      %multiple_of3A = tpu.assume_multiple %mul3A_28, 8 : i32
      %dma_start3A = arith.constant 0 : i32
      %dma_start3A_29 = tpu.memref_slice %arg9[%dma_start3A] : memref<2048xf32, #tpu.memory_space<vmem>> -> memref<128xf32, #tpu.memory_space<vmem>>
      %dma_start3A_30 = tpu.memref_slice %arg4[%add3A_19, %multiple_of3A] : memref<1024x100096xf32, #tpu.memory_space<hbm>> -> memref<1x128xf32, #tpu.memory_space<hbm>>
      %dma_start3A_31 = tpu.memref_squeeze %dma_start3A_30 : memref<1x128xf32, #tpu.memory_space<hbm>> -> memref<128xf32, #tpu.memory_space<hbm>>
      %dma_start3A_32 = arith.constant 0 : i32
      %dma_start3A_33 = tpu.memref_slice %arg9[%dma_start3A_32] : memref<2048xf32, #tpu.memory_space<vmem>> -> memref<128xf32, #tpu.memory_space<vmem>>
      %dma_start3A_34 = tpu.memref_slice %arg4[%add3A_19, %multiple_of3A] : memref<1024x100096xf32, #tpu.memory_space<hbm>> -> memref<1x128xf32, #tpu.memory_space<hbm>>
      %dma_start3A_35 = tpu.memref_squeeze %dma_start3A_34 : memref<1x128xf32, #tpu.memory_space<hbm>> -> memref<128xf32, #tpu.memory_space<hbm>>
      tpu.enqueue_dma source(%dma_start3A_35 : memref<128xf32, #tpu.memory_space<hbm>>) target(%dma_start3A_33 : memref<128xf32, #tpu.memory_space<vmem>>) target_semaphore(%arg12 : memref<!tpu.dma_semaphore, #tpu.memory_space<semaphore_mem>>)
      %slice3A_36 = vector.extract_strided_slice %scan3A_25#1 {offsets = [1], sizes = [1], strides = [1]} : vector<16xi32> to vector<1xi32>
      %squeeze3A_37 = vector.extract %slice3A_36[0] : i32 from vector<1xi32>
      %mul3A_38 = arith.constant 128 : i32
      %mul3A_39 = arith.muli %squeeze3A_37, %mul3A_38 : i32
      %multiple_of3A_40 = tpu.assume_multiple %mul3A_39, 8 : i32
      %dma_start3A_41 = arith.constant 128 : i32
      %dma_start3A_42 = tpu.memref_slice %arg9[%dma_start3A_41] : memref<2048xf32, #tpu.memory_space<vmem>> -> memref<128xf32, #tpu.memory_space<vmem>>
      %dma_start3A_43 = tpu.memref_slice %arg4[%add3A_19, %multiple_of3A_40] : memref<1024x100096xf32, #tpu.memory_space<hbm>> -> memref<1x128xf32, #tpu.memory_space<hbm>>
      %dma_start3A_44 = tpu.memref_squeeze %dma_start3A_43 : memref<1x128xf32, #tpu.memory_space<hbm>> -> memref<128xf32, #tpu.memory_space<hbm>>
      %dma_start3A_45 = arith.constant 128 : i32
      %dma_start3A_46 = tpu.memref_slice %arg9[%dma_start3A_45] : memref<2048xf32, #tpu.memory_space<vmem>> -> memref<128xf32, #tpu.memory_space<vmem>>
      %dma_start3A_47 = tpu.memref_slice %arg4[%add3A_19, %multiple_of3A_40] : memref<1024x100096xf32, #tpu.memory_space<hbm>> -> memref<1x128xf32, #tpu.memory_space<hbm>>
      %dma_start3A_48 = tpu.memref_squeeze %dma_start3A_47 : memref<1x128xf32, #tpu.memory_space<hbm>> -> memref<128xf32, #tpu.memory_space<hbm>>
      tpu.enqueue_dma source(%dma_start3A_48 : memref<128xf32, #tpu.memory_space<hbm>>) target(%dma_start3A_46 : memref<128xf32, #tpu.memory_space<vmem>>) target_semaphore(%arg12 : memref<!tpu.dma_semaphore, #tpu.memory_space<semaphore_mem>>)
      %slice3A_49 = vector.extract_strided_slice %scan3A_25#1 {offsets = [2], sizes = [1], strides = [1]} : vector<16xi32> to vector<1xi32>
      %squeeze3A_50 = vector.extract %slice3A_49[0] : i32 from vector<1xi32>
      %mul3A_51 = arith.constant 128 : i32
      %mul3A_52 = arith.muli %squeeze3A_50, %mul3A_51 : i32
      %multiple_of3A_53 = tpu.assume_multiple %mul3A_52, 8 : i32
      %dma_start3A_54 = arith.constant 256 : i32
      %dma_start3A_55 = tpu.memref_slice %arg9[%dma_start3A_54] : memref<2048xf32, #tpu.memory_space<vmem>> -> memref<128xf32, #tpu.memory_space<vmem>>
      %dma_start3A_56 = tpu.memref_slice %arg4[%add3A_19, %multiple_of3A_53] : memref<1024x100096xf32, #tpu.memory_space<hbm>> -> memref<1x128xf32, #tpu.memory_space<hbm>>
      %dma_start3A_57 = tpu.memref_squeeze %dma_start3A_56 : memref<1x128xf32, #tpu.memory_space<hbm>> -> memref<128xf32, #tpu.memory_space<hbm>>
      %dma_start3A_58 = arith.constant 256 : i32
      %dma_start3A_59 = tpu.memref_slice %arg9[%dma_start3A_58] : memref<2048xf32, #tpu.memory_space<vmem>> -> memref<128xf32, #tpu.memory_space<vmem>>
      %dma_start3A_60 = tpu.memref_slice %arg4[%add3A_19, %multiple_of3A_53] : memref<1024x100096xf32, #tpu.memory_space<hbm>> -> memref<1x128xf32, #tpu.memory_space<hbm>>
      %dma_start3A_61 = tpu.memref_squeeze %dma_start3A_60 : memref<1x128xf32, #tpu.memory_space<hbm>> -> memref<128xf32, #tpu.memory_space<hbm>>
      tpu.enqueue_dma source(%dma_start3A_61 : memref<128xf32, #tpu.memory_space<hbm>>) target(%dma_start3A_59 : memref<128xf32, #tpu.memory_space<vmem>>) target_semaphore(%arg12 : memref<!tpu.dma_semaphore, #tpu.memory_space<semaphore_mem>>)
      %slice3A_62 = vector.extract_strided_slice %scan3A_25#1 {offsets = [3], sizes = [1], strides = [1]} : vector<16xi32> to vector<1xi32>
      %squeeze3A_63 = vector.extract %slice3A_62[0] : i32 from vector<1xi32>
      %mul3A_64 = arith.constant 128 : i32
      %mul3A_65 = arith.muli %squeeze3A_63, %mul3A_64 : i32
      %multiple_of3A_66 = tpu.assume_multiple %mul3A_65, 8 : i32
      %dma_start3A_67 = arith.constant 384 : i32
      %dma_start3A_68 = tpu.memref_slice %arg9[%dma_start3A_67] : memref<2048xf32, #tpu.memory_space<vmem>> -> memref<128xf32, #tpu.memory_space<vmem>>
      %dma_start3A_69 = tpu.memref_slice %arg4[%add3A_19, %multiple_of3A_66] : memref<1024x100096xf32, #tpu.memory_space<hbm>> -> memref<1x128xf32, #tpu.memory_space<hbm>>
      %dma_start3A_70 = tpu.memref_squeeze %dma_start3A_69 : memref<1x128xf32, #tpu.memory_space<hbm>> -> memref<128xf32, #tpu.memory_space<hbm>>
      %dma_start3A_71 = arith.constant 384 : i32
      %dma_start3A_72 = tpu.memref_slice %arg9[%dma_start3A_71] : memref<2048xf32, #tpu.memory_space<vmem>> -> memref<128xf32, #tpu.memory_space<vmem>>
      %dma_start3A_73 = tpu.memref_slice %arg4[%add3A_19, %multiple_of3A_66] : memref<1024x100096xf32, #tpu.memory_space<hbm>> -> memref<1x128xf32, #tpu.memory_space<hbm>>
      %dma_start3A_74 = tpu.memref_squeeze %dma_start3A_73 : memref<1x128xf32, #tpu.memory_space<hbm>> -> memref<128xf32, #tpu.memory_space<hbm>>
      tpu.enqueue_dma source(%dma_start3A_74 : memref<128xf32, #tpu.memory_space<hbm>>) target(%dma_start3A_72 : memref<128xf32, #tpu.memory_space<vmem>>) target_semaphore(%arg12 : memref<!tpu.dma_semaphore, #tpu.memory_space<semaphore_mem>>)
      %slice3A_75 = vector.extract_strided_slice %scan3A_25#1 {offsets = [4], sizes = [1], strides = [1]} : vector<16xi32> to vector<1xi32>
      %squeeze3A_76 = vector.extract %slice3A_75[0] : i32 from vector<1xi32>
      %mul3A_77 = arith.constant 128 : i32
      %mul3A_78 = arith.muli %squeeze3A_76, %mul3A_77 : i32
      %multiple_of3A_79 = tpu.assume_multiple %mul3A_78, 8 : i32
      %dma_start3A_80 = arith.constant 512 : i32
      %dma_start3A_81 = tpu.memref_slice %arg9[%dma_start3A_80] : memref<2048xf32, #tpu.memory_space<vmem>> -> memref<128xf32, #tpu.memory_space<vmem>>
      %dma_start3A_82 = tpu.memref_slice %arg4[%add3A_19, %multiple_of3A_79] : memref<1024x100096xf32, #tpu.memory_space<hbm>> -> memref<1x128xf32, #tpu.memory_space<hbm>>
      %dma_start3A_83 = tpu.memref_squeeze %dma_start3A_82 : memref<1x128xf32, #tpu.memory_space<hbm>> -> memref<128xf32, #tpu.memory_space<hbm>>
      %dma_start3A_84 = arith.constant 512 : i32
      %dma_start3A_85 = tpu.memref_slice %arg9[%dma_start3A_84] : memref<2048xf32, #tpu.memory_space<vmem>> -> memref<128xf32, #tpu.memory_space<vmem>>
      %dma_start3A_86 = tpu.memref_slice %arg4[%add3A_19, %multiple_of3A_79] : memref<1024x100096xf32, #tpu.memory_space<hbm>> -> memref<1x128xf32, #tpu.memory_space<hbm>>
      %dma_start3A_87 = tpu.memref_squeeze %dma_start3A_86 : memref<1x128xf32, #tpu.memory_space<hbm>> -> memref<128xf32, #tpu.memory_space<hbm>>
      tpu.enqueue_dma source(%dma_start3A_87 : memref<128xf32, #tpu.memory_space<hbm>>) target(%dma_start3A_85 : memref<128xf32, #tpu.memory_space<vmem>>) target_semaphore(%arg12 : memref<!tpu.dma_semaphore, #tpu.memory_space<semaphore_mem>>)
      %slice3A_88 = vector.extract_strided_slice %scan3A_25#1 {offsets = [5], sizes = [1], strides = [1]} : vector<16xi32> to vector<1xi32>
      %squeeze3A_89 = vector.extract %slice3A_88[0] : i32 from vector<1xi32>
      %mul3A_90 = arith.constant 128 : i32
      %mul3A_91 = arith.muli %squeeze3A_89, %mul3A_90 : i32
      %multiple_of3A_92 = tpu.assume_multiple %mul3A_91, 8 : i32
      %dma_start3A_93 = arith.constant 640 : i32
      %dma_start3A_94 = tpu.memref_slice %arg9[%dma_start3A_93] : memref<2048xf32, #tpu.memory_space<vmem>> -> memref<128xf32, #tpu.memory_space<vmem>>
      %dma_start3A_95 = tpu.memref_slice %arg4[%add3A_19, %multiple_of3A_92] : memref<1024x100096xf32, #tpu.memory_space<hbm>> -> memref<1x128xf32, #tpu.memory_space<hbm>>
      %dma_start3A_96 = tpu.memref_squeeze %dma_start3A_95 : memref<1x128xf32, #tpu.memory_space<hbm>> -> memref<128xf32, #tpu.memory_space<hbm>>
      %dma_start3A_97 = arith.constant 640 : i32
      %dma_start3A_98 = tpu.memref_slice %arg9[%dma_start3A_97] : memref<2048xf32, #tpu.memory_space<vmem>> -> memref<128xf32, #tpu.memory_space<vmem>>
      %dma_start3A_99 = tpu.memref_slice %arg4[%add3A_19, %multiple_of3A_92] : memref<1024x100096xf32, #tpu.memory_space<hbm>> -> memref<1x128xf32, #tpu.memory_space<hbm>>
      %dma_start3A_100 = tpu.memref_squeeze %dma_start3A_99 : memref<1x128xf32, #tpu.memory_space<hbm>> -> memref<128xf32, #tpu.memory_space<hbm>>
      tpu.enqueue_dma source(%dma_start3A_100 : memref<128xf32, #tpu.memory_space<hbm>>) target(%dma_start3A_98 : memref<128xf32, #tpu.memory_space<vmem>>) target_semaphore(%arg12 : memref<!tpu.dma_semaphore, #tpu.memory_space<semaphore_mem>>)
      %slice3A_101 = vector.extract_strided_slice %scan3A_25#1 {offsets = [6], sizes = [1], strides = [1]} : vector<16xi32> to vector<1xi32>
      %squeeze3A_102 = vector.extract %slice3A_101[0] : i32 from vector<1xi32>
      %mul3A_103 = arith.constant 128 : i32
      %mul3A_104 = arith.muli %squeeze3A_102, %mul3A_103 : i32
      %multiple_of3A_105 = tpu.assume_multiple %mul3A_104, 8 : i32
      %dma_start3A_106 = arith.constant 768 : i32
      %dma_start3A_107 = tpu.memref_slice %arg9[%dma_start3A_106] : memref<2048xf32, #tpu.memory_space<vmem>> -> memref<128xf32, #tpu.memory_space<vmem>>
      %dma_start3A_108 = tpu.memref_slice %arg4[%add3A_19, %multiple_of3A_105] : memref<1024x100096xf32, #tpu.memory_space<hbm>> -> memref<1x128xf32, #tpu.memory_space<hbm>>
      %dma_start3A_109 = tpu.memref_squeeze %dma_start3A_108 : memref<1x128xf32, #tpu.memory_space<hbm>> -> memref<128xf32, #tpu.memory_space<hbm>>
      %dma_start3A_110 = arith.constant 768 : i32
      %dma_start3A_111 = tpu.memref_slice %arg9[%dma_start3A_110] : memref<2048xf32, #tpu.memory_space<vmem>> -> memref<128xf32, #tpu.memory_space<vmem>>
      %dma_start3A_112 = tpu.memref_slice %arg4[%add3A_19, %multiple_of3A_105] : memref<1024x100096xf32, #tpu.memory_space<hbm>> -> memref<1x128xf32, #tpu.memory_space<hbm>>
      %dma_start3A_113 = tpu.memref_squeeze %dma_start3A_112 : memref<1x128xf32, #tpu.memory_space<hbm>> -> memref<128xf32, #tpu.memory_space<hbm>>
      tpu.enqueue_dma source(%dma_start3A_113 : memref<128xf32, #tpu.memory_space<hbm>>) target(%dma_start3A_111 : memref<128xf32, #tpu.memory_space<vmem>>) target_semaphore(%arg12 : memref<!tpu.dma_semaphore, #tpu.memory_space<semaphore_mem>>)
      %slice3A_114 = vector.extract_strided_slice %scan3A_25#1 {offsets = [7], sizes = [1], strides = [1]} : vector<16xi32> to vector<1xi32>
      %squeeze3A_115 = vector.extract %slice3A_114[0] : i32 from vector<1xi32>
      %mul3A_116 = arith.constant 128 : i32
      %mul3A_117 = arith.muli %squeeze3A_115, %mul3A_116 : i32
      %multiple_of3A_118 = tpu.assume_multiple %mul3A_117, 8 : i32
      %dma_start3A_119 = arith.constant 896 : i32
      %dma_start3A_120 = tpu.memref_slice %arg9[%dma_start3A_119] : memref<2048xf32, #tpu.memory_space<vmem>> -> memref<128xf32, #tpu.memory_space<vmem>>
      %dma_start3A_121 = tpu.memref_slice %arg4[%add3A_19, %multiple_of3A_118] : memref<1024x100096xf32, #tpu.memory_space<hbm>> -> memref<1x128xf32, #tpu.memory_space<hbm>>
      %dma_start3A_122 = tpu.memref_squeeze %dma_start3A_121 : memref<1x128xf32, #tpu.memory_space<hbm>> -> memref<128xf32, #tpu.memory_space<hbm>>
      %dma_start3A_123 = arith.constant 896 : i32
      %dma_start3A_124 = tpu.memref_slice %arg9[%dma_start3A_123] : memref<2048xf32, #tpu.memory_space<vmem>> -> memref<128xf32, #tpu.memory_space<vmem>>
      %dma_start3A_125 = tpu.memref_slice %arg4[%add3A_19, %multiple_of3A_118] : memref<1024x100096xf32, #tpu.memory_space<hbm>> -> memref<1x128xf32, #tpu.memory_space<hbm>>
      %dma_start3A_126 = tpu.memref_squeeze %dma_start3A_125 : memref<1x128xf32, #tpu.memory_space<hbm>> -> memref<128xf32, #tpu.memory_space<hbm>>
      tpu.enqueue_dma source(%dma_start3A_126 : memref<128xf32, #tpu.memory_space<hbm>>) target(%dma_start3A_124 : memref<128xf32, #tpu.memory_space<vmem>>) target_semaphore(%arg12 : memref<!tpu.dma_semaphore, #tpu.memory_space<semaphore_mem>>)
      %slice3A_127 = vector.extract_strided_slice %scan3A_25#1 {offsets = [8], sizes = [1], strides = [1]} : vector<16xi32> to vector<1xi32>
      %squeeze3A_128 = vector.extract %slice3A_127[0] : i32 from vector<1xi32>
      %mul3A_129 = arith.constant 128 : i32
      %mul3A_130 = arith.muli %squeeze3A_128, %mul3A_129 : i32
      %multiple_of3A_131 = tpu.assume_multiple %mul3A_130, 8 : i32
      %dma_start3A_132 = arith.constant 1024 : i32
      %dma_start3A_133 = tpu.memref_slice %arg9[%dma_start3A_132] : memref<2048xf32, #tpu.memory_space<vmem>> -> memref<128xf32, #tpu.memory_space<vmem>>
      %dma_start3A_134 = tpu.memref_slice %arg4[%add3A_19, %multiple_of3A_131] : memref<1024x100096xf32, #tpu.memory_space<hbm>> -> memref<1x128xf32, #tpu.memory_space<hbm>>
      %dma_start3A_135 = tpu.memref_squeeze %dma_start3A_134 : memref<1x128xf32, #tpu.memory_space<hbm>> -> memref<128xf32, #tpu.memory_space<hbm>>
      %dma_start3A_136 = arith.constant 1024 : i32
      %dma_start3A_137 = tpu.memref_slice %arg9[%dma_start3A_136] : memref<2048xf32, #tpu.memory_space<vmem>> -> memref<128xf32, #tpu.memory_space<vmem>>
      %dma_start3A_138 = tpu.memref_slice %arg4[%add3A_19, %multiple_of3A_131] : memref<1024x100096xf32, #tpu.memory_space<hbm>> -> memref<1x128xf32, #tpu.memory_space<hbm>>
      %dma_start3A_139 = tpu.memref_squeeze %dma_start3A_138 : memref<1x128xf32, #tpu.memory_space<hbm>> -> memref<128xf32, #tpu.memory_space<hbm>>
      tpu.enqueue_dma source(%dma_start3A_139 : memref<128xf32, #tpu.memory_space<hbm>>) target(%dma_start3A_137 : memref<128xf32, #tpu.memory_space<vmem>>) target_semaphore(%arg12 : memref<!tpu.dma_semaphore, #tpu.memory_space<semaphore_mem>>)
      %slice3A_140 = vector.extract_strided_slice %scan3A_25#1 {offsets = [9], sizes = [1], strides = [1]} : vector<16xi32> to vector<1xi32>
      %squeeze3A_141 = vector.extract %slice3A_140[0] : i32 from vector<1xi32>
      %mul3A_142 = arith.constant 128 : i32
      %mul3A_143 = arith.muli %squeeze3A_141, %mul3A_142 : i32
      %multiple_of3A_144 = tpu.assume_multiple %mul3A_143, 8 : i32
      %dma_start3A_145 = arith.constant 1152 : i32
      %dma_start3A_146 = tpu.memref_slice %arg9[%dma_start3A_145] : memref<2048xf32, #tpu.memory_space<vmem>> -> memref<128xf32, #tpu.memory_space<vmem>>
      %dma_start3A_147 = tpu.memref_slice %arg4[%add3A_19, %multiple_of3A_144] : memref<1024x100096xf32, #tpu.memory_space<hbm>> -> memref<1x128xf32, #tpu.memory_space<hbm>>
      %dma_start3A_148 = tpu.memref_squeeze %dma_start3A_147 : memref<1x128xf32, #tpu.memory_space<hbm>> -> memref<128xf32, #tpu.memory_space<hbm>>
      %dma_start3A_149 = arith.constant 1152 : i32
      %dma_start3A_150 = tpu.memref_slice %arg9[%dma_start3A_149] : memref<2048xf32, #tpu.memory_space<vmem>> -> memref<128xf32, #tpu.memory_space<vmem>>
      %dma_start3A_151 = tpu.memref_slice %arg4[%add3A_19, %multiple_of3A_144] : memref<1024x100096xf32, #tpu.memory_space<hbm>> -> memref<1x128xf32, #tpu.memory_space<hbm>>
      %dma_start3A_152 = tpu.memref_squeeze %dma_start3A_151 : memref<1x128xf32, #tpu.memory_space<hbm>> -> memref<128xf32, #tpu.memory_space<hbm>>
      tpu.enqueue_dma source(%dma_start3A_152 : memref<128xf32, #tpu.memory_space<hbm>>) target(%dma_start3A_150 : memref<128xf32, #tpu.memory_space<vmem>>) target_semaphore(%arg12 : memref<!tpu.dma_semaphore, #tpu.memory_space<semaphore_mem>>)
      %slice3A_153 = vector.extract_strided_slice %scan3A_25#1 {offsets = [10], sizes = [1], strides = [1]} : vector<16xi32> to vector<1xi32>
      %squeeze3A_154 = vector.extract %slice3A_153[0] : i32 from vector<1xi32>
      %mul3A_155 = arith.constant 128 : i32
      %mul3A_156 = arith.muli %squeeze3A_154, %mul3A_155 : i32
      %multiple_of3A_157 = tpu.assume_multiple %mul3A_156, 8 : i32
      %dma_start3A_158 = arith.constant 1280 : i32
      %dma_start3A_159 = tpu.memref_slice %arg9[%dma_start3A_158] : memref<2048xf32, #tpu.memory_space<vmem>> -> memref<128xf32, #tpu.memory_space<vmem>>
      %dma_start3A_160 = tpu.memref_slice %arg4[%add3A_19, %multiple_of3A_157] : memref<1024x100096xf32, #tpu.memory_space<hbm>> -> memref<1x128xf32, #tpu.memory_space<hbm>>
      %dma_start3A_161 = tpu.memref_squeeze %dma_start3A_160 : memref<1x128xf32, #tpu.memory_space<hbm>> -> memref<128xf32, #tpu.memory_space<hbm>>
      %dma_start3A_162 = arith.constant 1280 : i32
      %dma_start3A_163 = tpu.memref_slice %arg9[%dma_start3A_162] : memref<2048xf32, #tpu.memory_space<vmem>> -> memref<128xf32, #tpu.memory_space<vmem>>
      %dma_start3A_164 = tpu.memref_slice %arg4[%add3A_19, %multiple_of3A_157] : memref<1024x100096xf32, #tpu.memory_space<hbm>> -> memref<1x128xf32, #tpu.memory_space<hbm>>
      %dma_start3A_165 = tpu.memref_squeeze %dma_start3A_164 : memref<1x128xf32, #tpu.memory_space<hbm>> -> memref<128xf32, #tpu.memory_space<hbm>>
      tpu.enqueue_dma source(%dma_start3A_165 : memref<128xf32, #tpu.memory_space<hbm>>) target(%dma_start3A_163 : memref<128xf32, #tpu.memory_space<vmem>>) target_semaphore(%arg12 : memref<!tpu.dma_semaphore, #tpu.memory_space<semaphore_mem>>)
      %slice3A_166 = vector.extract_strided_slice %scan3A_25#1 {offsets = [11], sizes = [1], strides = [1]} : vector<16xi32> to vector<1xi32>
      %squeeze3A_167 = vector.extract %slice3A_166[0] : i32 from vector<1xi32>
      %mul3A_168 = arith.constant 128 : i32
      %mul3A_169 = arith.muli %squeeze3A_167, %mul3A_168 : i32
      %multiple_of3A_170 = tpu.assume_multiple %mul3A_169, 8 : i32
      %dma_start3A_171 = arith.constant 1408 : i32
      %dma_start3A_172 = tpu.memref_slice %arg9[%dma_start3A_171] : memref<2048xf32, #tpu.memory_space<vmem>> -> memref<128xf32, #tpu.memory_space<vmem>>
      %dma_start3A_173 = tpu.memref_slice %arg4[%add3A_19, %multiple_of3A_170] : memref<1024x100096xf32, #tpu.memory_space<hbm>> -> memref<1x128xf32, #tpu.memory_space<hbm>>
      %dma_start3A_174 = tpu.memref_squeeze %dma_start3A_173 : memref<1x128xf32, #tpu.memory_space<hbm>> -> memref<128xf32, #tpu.memory_space<hbm>>
      %dma_start3A_175 = arith.constant 1408 : i32
      %dma_start3A_176 = tpu.memref_slice %arg9[%dma_start3A_175] : memref<2048xf32, #tpu.memory_space<vmem>> -> memref<128xf32, #tpu.memory_space<vmem>>
      %dma_start3A_177 = tpu.memref_slice %arg4[%add3A_19, %multiple_of3A_170] : memref<1024x100096xf32, #tpu.memory_space<hbm>> -> memref<1x128xf32, #tpu.memory_space<hbm>>
      %dma_start3A_178 = tpu.memref_squeeze %dma_start3A_177 : memref<1x128xf32, #tpu.memory_space<hbm>> -> memref<128xf32, #tpu.memory_space<hbm>>
      tpu.enqueue_dma source(%dma_start3A_178 : memref<128xf32, #tpu.memory_space<hbm>>) target(%dma_start3A_176 : memref<128xf32, #tpu.memory_space<vmem>>) target_semaphore(%arg12 : memref<!tpu.dma_semaphore, #tpu.memory_space<semaphore_mem>>)
      %slice3A_179 = vector.extract_strided_slice %scan3A_25#1 {offsets = [12], sizes = [1], strides = [1]} : vector<16xi32> to vector<1xi32>
      %squeeze3A_180 = vector.extract %slice3A_179[0] : i32 from vector<1xi32>
      %mul3A_181 = arith.constant 128 : i32
      %mul3A_182 = arith.muli %squeeze3A_180, %mul3A_181 : i32
      %multiple_of3A_183 = tpu.assume_multiple %mul3A_182, 8 : i32
      %dma_start3A_184 = arith.constant 1536 : i32
      %dma_start3A_185 = tpu.memref_slice %arg9[%dma_start3A_184] : memref<2048xf32, #tpu.memory_space<vmem>> -> memref<128xf32, #tpu.memory_space<vmem>>
      %dma_start3A_186 = tpu.memref_slice %arg4[%add3A_19, %multiple_of3A_183] : memref<1024x100096xf32, #tpu.memory_space<hbm>> -> memref<1x128xf32, #tpu.memory_space<hbm>>
      %dma_start3A_187 = tpu.memref_squeeze %dma_start3A_186 : memref<1x128xf32, #tpu.memory_space<hbm>> -> memref<128xf32, #tpu.memory_space<hbm>>
      %dma_start3A_188 = arith.constant 1536 : i32
      %dma_start3A_189 = tpu.memref_slice %arg9[%dma_start3A_188] : memref<2048xf32, #tpu.memory_space<vmem>> -> memref<128xf32, #tpu.memory_space<vmem>>
      %dma_start3A_190 = tpu.memref_slice %arg4[%add3A_19, %multiple_of3A_183] : memref<1024x100096xf32, #tpu.memory_space<hbm>> -> memref<1x128xf32, #tpu.memory_space<hbm>>
      %dma_start3A_191 = tpu.memref_squeeze %dma_start3A_190 : memref<1x128xf32, #tpu.memory_space<hbm>> -> memref<128xf32, #tpu.memory_space<hbm>>
      tpu.enqueue_dma source(%dma_start3A_191 : memref<128xf32, #tpu.memory_space<hbm>>) target(%dma_start3A_189 : memref<128xf32, #tpu.memory_space<vmem>>) target_semaphore(%arg12 : memref<!tpu.dma_semaphore, #tpu.memory_space<semaphore_mem>>)
      %slice3A_192 = vector.extract_strided_slice %scan3A_25#1 {offsets = [13], sizes = [1], strides = [1]} : vector<16xi32> to vector<1xi32>
      %squeeze3A_193 = vector.extract %slice3A_192[0] : i32 from vector<1xi32>
      %mul3A_194 = arith.constant 128 : i32
      %mul3A_195 = arith.muli %squeeze3A_193, %mul3A_194 : i32
      %multiple_of3A_196 = tpu.assume_multiple %mul3A_195, 8 : i32
      %dma_start3A_197 = arith.constant 1664 : i32
      %dma_start3A_198 = tpu.memref_slice %arg9[%dma_start3A_197] : memref<2048xf32, #tpu.memory_space<vmem>> -> memref<128xf32, #tpu.memory_space<vmem>>
      %dma_start3A_199 = tpu.memref_slice %arg4[%add3A_19, %multiple_of3A_196] : memref<1024x100096xf32, #tpu.memory_space<hbm>> -> memref<1x128xf32, #tpu.memory_space<hbm>>
      %dma_start3A_200 = tpu.memref_squeeze %dma_start3A_199 : memref<1x128xf32, #tpu.memory_space<hbm>> -> memref<128xf32, #tpu.memory_space<hbm>>
      %dma_start3A_201 = arith.constant 1664 : i32
      %dma_start3A_202 = tpu.memref_slice %arg9[%dma_start3A_201] : memref<2048xf32, #tpu.memory_space<vmem>> -> memref<128xf32, #tpu.memory_space<vmem>>
      %dma_start3A_203 = tpu.memref_slice %arg4[%add3A_19, %multiple_of3A_196] : memref<1024x100096xf32, #tpu.memory_space<hbm>> -> memref<1x128xf32, #tpu.memory_space<hbm>>
      %dma_start3A_204 = tpu.memref_squeeze %dma_start3A_203 : memref<1x128xf32, #tpu.memory_space<hbm>> -> memref<128xf32, #tpu.memory_space<hbm>>
      tpu.enqueue_dma source(%dma_start3A_204 : memref<128xf32, #tpu.memory_space<hbm>>) target(%dma_start3A_202 : memref<128xf32, #tpu.memory_space<vmem>>) target_semaphore(%arg12 : memref<!tpu.dma_semaphore, #tpu.memory_space<semaphore_mem>>)
      %slice3A_205 = vector.extract_strided_slice %scan3A_25#1 {offsets = [14], sizes = [1], strides = [1]} : vector<16xi32> to vector<1xi32>
      %squeeze3A_206 = vector.extract %slice3A_205[0] : i32 from vector<1xi32>
      %mul3A_207 = arith.constant 128 : i32
      %mul3A_208 = arith.muli %squeeze3A_206, %mul3A_207 : i32
      %multiple_of3A_209 = tpu.assume_multiple %mul3A_208, 8 : i32
      %dma_start3A_210 = arith.constant 1792 : i32
      %dma_start3A_211 = tpu.memref_slice %arg9[%dma_start3A_210] : memref<2048xf32, #tpu.memory_space<vmem>> -> memref<128xf32, #tpu.memory_space<vmem>>
      %dma_start3A_212 = tpu.memref_slice %arg4[%add3A_19, %multiple_of3A_209] : memref<1024x100096xf32, #tpu.memory_space<hbm>> -> memref<1x128xf32, #tpu.memory_space<hbm>>
      %dma_start3A_213 = tpu.memref_squeeze %dma_start3A_212 : memref<1x128xf32, #tpu.memory_space<hbm>> -> memref<128xf32, #tpu.memory_space<hbm>>
      %dma_start3A_214 = arith.constant 1792 : i32
      %dma_start3A_215 = tpu.memref_slice %arg9[%dma_start3A_214] : memref<2048xf32, #tpu.memory_space<vmem>> -> memref<128xf32, #tpu.memory_space<vmem>>
      %dma_start3A_216 = tpu.memref_slice %arg4[%add3A_19, %multiple_of3A_209] : memref<1024x100096xf32, #tpu.memory_space<hbm>> -> memref<1x128xf32, #tpu.memory_space<hbm>>
      %dma_start3A_217 = tpu.memref_squeeze %dma_start3A_216 : memref<1x128xf32, #tpu.memory_space<hbm>> -> memref<128xf32, #tpu.memory_space<hbm>>
      tpu.enqueue_dma source(%dma_start3A_217 : memref<128xf32, #tpu.memory_space<hbm>>) target(%dma_start3A_215 : memref<128xf32, #tpu.memory_space<vmem>>) target_semaphore(%arg12 : memref<!tpu.dma_semaphore, #tpu.memory_space<semaphore_mem>>)
      %slice3A_218 = vector.extract_strided_slice %scan3A_25#1 {offsets = [15], sizes = [1], strides = [1]} : vector<16xi32> to vector<1xi32>
      %squeeze3A_219 = vector.extract %slice3A_218[0] : i32 from vector<1xi32>
      %mul3A_220 = arith.constant 128 : i32
      %mul3A_221 = arith.muli %squeeze3A_219, %mul3A_220 : i32
      %multiple_of3A_222 = tpu.assume_multiple %mul3A_221, 8 : i32
      %dma_start3A_223 = arith.constant 1920 : i32
      %dma_start3A_224 = tpu.memref_slice %arg9[%dma_start3A_223] : memref<2048xf32, #tpu.memory_space<vmem>> -> memref<128xf32, #tpu.memory_space<vmem>>
      %dma_start3A_225 = tpu.memref_slice %arg4[%add3A_19, %multiple_of3A_222] : memref<1024x100096xf32, #tpu.memory_space<hbm>> -> memref<1x128xf32, #tpu.memory_space<hbm>>
      %dma_start3A_226 = tpu.memref_squeeze %dma_start3A_225 : memref<1x128xf32, #tpu.memory_space<hbm>> -> memref<128xf32, #tpu.memory_space<hbm>>
      %dma_start3A_227 = arith.constant 1920 : i32
      %dma_start3A_228 = tpu.memref_slice %arg9[%dma_start3A_227] : memref<2048xf32, #tpu.memory_space<vmem>> -> memref<128xf32, #tpu.memory_space<vmem>>
      %dma_start3A_229 = tpu.memref_slice %arg4[%add3A_19, %multiple_of3A_222] : memref<1024x100096xf32, #tpu.memory_space<hbm>> -> memref<1x128xf32, #tpu.memory_space<hbm>>
      %dma_start3A_230 = tpu.memref_squeeze %dma_start3A_229 : memref<1x128xf32, #tpu.memory_space<hbm>> -> memref<128xf32, #tpu.memory_space<hbm>>
      tpu.enqueue_dma source(%dma_start3A_230 : memref<128xf32, #tpu.memory_space<hbm>>) target(%dma_start3A_228 : memref<128xf32, #tpu.memory_space<vmem>>) target_semaphore(%arg12 : memref<!tpu.dma_semaphore, #tpu.memory_space<semaphore_mem>>)
      %dma_wait3A = arith.constant 0 : i32
      %dma_wait3A_231 = tpu.memref_slice %arg9[%dma_wait3A] : memref<2048xf32, #tpu.memory_space<vmem>> -> memref<128xf32, #tpu.memory_space<vmem>>
      %dma_wait3A_232 = tpu.memref_slice %arg4[%add3A_19, %multiple_of3A] : memref<1024x100096xf32, #tpu.memory_space<hbm>> -> memref<1x128xf32, #tpu.memory_space<hbm>>
      %dma_wait3A_233 = tpu.memref_squeeze %dma_wait3A_232 : memref<1x128xf32, #tpu.memory_space<hbm>> -> memref<128xf32, #tpu.memory_space<hbm>>
      %dma_wait3A_234 = arith.constant 0 : i32
      %dma_wait3A_235 = tpu.memref_slice %arg9[%dma_wait3A_234] : memref<2048xf32, #tpu.memory_space<vmem>> -> memref<128xf32, #tpu.memory_space<vmem>>
      %dma_wait3A_236 = tpu.memref_slice %arg4[%add3A_19, %multiple_of3A] : memref<1024x100096xf32, #tpu.memory_space<hbm>> -> memref<1x128xf32, #tpu.memory_space<hbm>>
      %dma_wait3A_237 = tpu.memref_squeeze %dma_wait3A_236 : memref<1x128xf32, #tpu.memory_space<hbm>> -> memref<128xf32, #tpu.memory_space<hbm>>
      tpu.wait_dma2 semaphore(%arg12 : memref<!tpu.dma_semaphore, #tpu.memory_space<semaphore_mem>>) src(%dma_wait3A_237 : memref<128xf32, #tpu.memory_space<hbm>>) dst(%dma_wait3A_235 : memref<128xf32, #tpu.memory_space<vmem>>)
      %dma_wait3A_238 = arith.constant 128 : i32
      %dma_wait3A_239 = tpu.memref_slice %arg9[%dma_wait3A_238] : memref<2048xf32, #tpu.memory_space<vmem>> -> memref<128xf32, #tpu.memory_space<vmem>>
      %dma_wait3A_240 = tpu.memref_slice %arg4[%add3A_19, %multiple_of3A_40] : memref<1024x100096xf32, #tpu.memory_space<hbm>> -> memref<1x128xf32, #tpu.memory_space<hbm>>
      %dma_wait3A_241 = tpu.memref_squeeze %dma_wait3A_240 : memref<1x128xf32, #tpu.memory_space<hbm>> -> memref<128xf32, #tpu.memory_space<hbm>>
      %dma_wait3A_242 = arith.constant 128 : i32
      %dma_wait3A_243 = tpu.memref_slice %arg9[%dma_wait3A_242] : memref<2048xf32, #tpu.memory_space<vmem>> -> memref<128xf32, #tpu.memory_space<vmem>>
      %dma_wait3A_244 = tpu.memref_slice %arg4[%add3A_19, %multiple_of3A_40] : memref<1024x100096xf32, #tpu.memory_space<hbm>> -> memref<1x128xf32, #tpu.memory_space<hbm>>
      %dma_wait3A_245 = tpu.memref_squeeze %dma_wait3A_244 : memref<1x128xf32, #tpu.memory_space<hbm>> -> memref<128xf32, #tpu.memory_space<hbm>>
      tpu.wait_dma2 semaphore(%arg12 : memref<!tpu.dma_semaphore, #tpu.memory_space<semaphore_mem>>) src(%dma_wait3A_245 : memref<128xf32, #tpu.memory_space<hbm>>) dst(%dma_wait3A_243 : memref<128xf32, #tpu.memory_space<vmem>>)
      %dma_wait3A_246 = arith.constant 256 : i32
      %dma_wait3A_247 = tpu.memref_slice %arg9[%dma_wait3A_246] : memref<2048xf32, #tpu.memory_space<vmem>> -> memref<128xf32, #tpu.memory_space<vmem>>
      %dma_wait3A_248 = tpu.memref_slice %arg4[%add3A_19, %multiple_of3A_53] : memref<1024x100096xf32, #tpu.memory_space<hbm>> -> memref<1x128xf32, #tpu.memory_space<hbm>>
      %dma_wait3A_249 = tpu.memref_squeeze %dma_wait3A_248 : memref<1x128xf32, #tpu.memory_space<hbm>> -> memref<128xf32, #tpu.memory_space<hbm>>
      %dma_wait3A_250 = arith.constant 256 : i32
      %dma_wait3A_251 = tpu.memref_slice %arg9[%dma_wait3A_250] : memref<2048xf32, #tpu.memory_space<vmem>> -> memref<128xf32, #tpu.memory_space<vmem>>
      %dma_wait3A_252 = tpu.memref_slice %arg4[%add3A_19, %multiple_of3A_53] : memref<1024x100096xf32, #tpu.memory_space<hbm>> -> memref<1x128xf32, #tpu.memory_space<hbm>>
      %dma_wait3A_253 = tpu.memref_squeeze %dma_wait3A_252 : memref<1x128xf32, #tpu.memory_space<hbm>> -> memref<128xf32, #tpu.memory_space<hbm>>
      tpu.wait_dma2 semaphore(%arg12 : memref<!tpu.dma_semaphore, #tpu.memory_space<semaphore_mem>>) src(%dma_wait3A_253 : memref<128xf32, #tpu.memory_space<hbm>>) dst(%dma_wait3A_251 : memref<128xf32, #tpu.memory_space<vmem>>)
      %dma_wait3A_254 = arith.constant 384 : i32
      %dma_wait3A_255 = tpu.memref_slice %arg9[%dma_wait3A_254] : memref<2048xf32, #tpu.memory_space<vmem>> -> memref<128xf32, #tpu.memory_space<vmem>>
      %dma_wait3A_256 = tpu.memref_slice %arg4[%add3A_19, %multiple_of3A_66] : memref<1024x100096xf32, #tpu.memory_space<hbm>> -> memref<1x128xf32, #tpu.memory_space<hbm>>
      %dma_wait3A_257 = tpu.memref_squeeze %dma_wait3A_256 : memref<1x128xf32, #tpu.memory_space<hbm>> -> memref<128xf32, #tpu.memory_space<hbm>>
      %dma_wait3A_258 = arith.constant 384 : i32
      %dma_wait3A_259 = tpu.memref_slice %arg9[%dma_wait3A_258] : memref<2048xf32, #tpu.memory_space<vmem>> -> memref<128xf32, #tpu.memory_space<vmem>>
      %dma_wait3A_260 = tpu.memref_slice %arg4[%add3A_19, %multiple_of3A_66] : memref<1024x100096xf32, #tpu.memory_space<hbm>> -> memref<1x128xf32, #tpu.memory_space<hbm>>
      %dma_wait3A_261 = tpu.memref_squeeze %dma_wait3A_260 : memref<1x128xf32, #tpu.memory_space<hbm>> -> memref<128xf32, #tpu.memory_space<hbm>>
      tpu.wait_dma2 semaphore(%arg12 : memref<!tpu.dma_semaphore, #tpu.memory_space<semaphore_mem>>) src(%dma_wait3A_261 : memref<128xf32, #tpu.memory_space<hbm>>) dst(%dma_wait3A_259 : memref<128xf32, #tpu.memory_space<vmem>>)
      %dma_wait3A_262 = arith.constant 512 : i32
      %dma_wait3A_263 = tpu.memref_slice %arg9[%dma_wait3A_262] : memref<2048xf32, #tpu.memory_space<vmem>> -> memref<128xf32, #tpu.memory_space<vmem>>
      %dma_wait3A_264 = tpu.memref_slice %arg4[%add3A_19, %multiple_of3A_79] : memref<1024x100096xf32, #tpu.memory_space<hbm>> -> memref<1x128xf32, #tpu.memory_space<hbm>>
      %dma_wait3A_265 = tpu.memref_squeeze %dma_wait3A_264 : memref<1x128xf32, #tpu.memory_space<hbm>> -> memref<128xf32, #tpu.memory_space<hbm>>
      %dma_wait3A_266 = arith.constant 512 : i32
      %dma_wait3A_267 = tpu.memref_slice %arg9[%dma_wait3A_266] : memref<2048xf32, #tpu.memory_space<vmem>> -> memref<128xf32, #tpu.memory_space<vmem>>
      %dma_wait3A_268 = tpu.memref_slice %arg4[%add3A_19, %multiple_of3A_79] : memref<1024x100096xf32, #tpu.memory_space<hbm>> -> memref<1x128xf32, #tpu.memory_space<hbm>>
      %dma_wait3A_269 = tpu.memref_squeeze %dma_wait3A_268 : memref<1x128xf32, #tpu.memory_space<hbm>> -> memref<128xf32, #tpu.memory_space<hbm>>
      tpu.wait_dma2 semaphore(%arg12 : memref<!tpu.dma_semaphore, #tpu.memory_space<semaphore_mem>>) src(%dma_wait3A_269 : memref<128xf32, #tpu.memory_space<hbm>>) dst(%dma_wait3A_267 : memref<128xf32, #tpu.memory_space<vmem>>)
      %dma_wait3A_270 = arith.constant 640 : i32
      %dma_wait3A_271 = tpu.memref_slice %arg9[%dma_wait3A_270] : memref<2048xf32, #tpu.memory_space<vmem>> -> memref<128xf32, #tpu.memory_space<vmem>>
      %dma_wait3A_272 = tpu.memref_slice %arg4[%add3A_19, %multiple_of3A_92] : memref<1024x100096xf32, #tpu.memory_space<hbm>> -> memref<1x128xf32, #tpu.memory_space<hbm>>
      %dma_wait3A_273 = tpu.memref_squeeze %dma_wait3A_272 : memref<1x128xf32, #tpu.memory_space<hbm>> -> memref<128xf32, #tpu.memory_space<hbm>>
      %dma_wait3A_274 = arith.constant 640 : i32
      %dma_wait3A_275 = tpu.memref_slice %arg9[%dma_wait3A_274] : memref<2048xf32, #tpu.memory_space<vmem>> -> memref<128xf32, #tpu.memory_space<vmem>>
      %dma_wait3A_276 = tpu.memref_slice %arg4[%add3A_19, %multiple_of3A_92] : memref<1024x100096xf32, #tpu.memory_space<hbm>> -> memref<1x128xf32, #tpu.memory_space<hbm>>
      %dma_wait3A_277 = tpu.memref_squeeze %dma_wait3A_276 : memref<1x128xf32, #tpu.memory_space<hbm>> -> memref<128xf32, #tpu.memory_space<hbm>>
      tpu.wait_dma2 semaphore(%arg12 : memref<!tpu.dma_semaphore, #tpu.memory_space<semaphore_mem>>) src(%dma_wait3A_277 : memref<128xf32, #tpu.memory_space<hbm>>) dst(%dma_wait3A_275 : memref<128xf32, #tpu.memory_space<vmem>>)
      %dma_wait3A_278 = arith.constant 768 : i32
      %dma_wait3A_279 = tpu.memref_slice %arg9[%dma_wait3A_278] : memref<2048xf32, #tpu.memory_space<vmem>> -> memref<128xf32, #tpu.memory_space<vmem>>
      %dma_wait3A_280 = tpu.memref_slice %arg4[%add3A_19, %multiple_of3A_105] : memref<1024x100096xf32, #tpu.memory_space<hbm>> -> memref<1x128xf32, #tpu.memory_space<hbm>>
      %dma_wait3A_281 = tpu.memref_squeeze %dma_wait3A_280 : memref<1x128xf32, #tpu.memory_space<hbm>> -> memref<128xf32, #tpu.memory_space<hbm>>
      %dma_wait3A_282 = arith.constant 768 : i32
      %dma_wait3A_283 = tpu.memref_slice %arg9[%dma_wait3A_282] : memref<2048xf32, #tpu.memory_space<vmem>> -> memref<128xf32, #tpu.memory_space<vmem>>
      %dma_wait3A_284 = tpu.memref_slice %arg4[%add3A_19, %multiple_of3A_105] : memref<1024x100096xf32, #tpu.memory_space<hbm>> -> memref<1x128xf32, #tpu.memory_space<hbm>>
      %dma_wait3A_285 = tpu.memref_squeeze %dma_wait3A_284 : memref<1x128xf32, #tpu.memory_space<hbm>> -> memref<128xf32, #tpu.memory_space<hbm>>
      tpu.wait_dma2 semaphore(%arg12 : memref<!tpu.dma_semaphore, #tpu.memory_space<semaphore_mem>>) src(%dma_wait3A_285 : memref<128xf32, #tpu.memory_space<hbm>>) dst(%dma_wait3A_283 : memref<128xf32, #tpu.memory_space<vmem>>)
      %dma_wait3A_286 = arith.constant 896 : i32
      %dma_wait3A_287 = tpu.memref_slice %arg9[%dma_wait3A_286] : memref<2048xf32, #tpu.memory_space<vmem>> -> memref<128xf32, #tpu.memory_space<vmem>>
      %dma_wait3A_288 = tpu.memref_slice %arg4[%add3A_19, %multiple_of3A_118] : memref<1024x100096xf32, #tpu.memory_space<hbm>> -> memref<1x128xf32, #tpu.memory_space<hbm>>
      %dma_wait3A_289 = tpu.memref_squeeze %dma_wait3A_288 : memref<1x128xf32, #tpu.memory_space<hbm>> -> memref<128xf32, #tpu.memory_space<hbm>>
      %dma_wait3A_290 = arith.constant 896 : i32
      %dma_wait3A_291 = tpu.memref_slice %arg9[%dma_wait3A_290] : memref<2048xf32, #tpu.memory_space<vmem>> -> memref<128xf32, #tpu.memory_space<vmem>>
      %dma_wait3A_292 = tpu.memref_slice %arg4[%add3A_19, %multiple_of3A_118] : memref<1024x100096xf32, #tpu.memory_space<hbm>> -> memref<1x128xf32, #tpu.memory_space<hbm>>
      %dma_wait3A_293 = tpu.memref_squeeze %dma_wait3A_292 : memref<1x128xf32, #tpu.memory_space<hbm>> -> memref<128xf32, #tpu.memory_space<hbm>>
      tpu.wait_dma2 semaphore(%arg12 : memref<!tpu.dma_semaphore, #tpu.memory_space<semaphore_mem>>) src(%dma_wait3A_293 : memref<128xf32, #tpu.memory_space<hbm>>) dst(%dma_wait3A_291 : memref<128xf32, #tpu.memory_space<vmem>>)
      %dma_wait3A_294 = arith.constant 1024 : i32
      %dma_wait3A_295 = tpu.memref_slice %arg9[%dma_wait3A_294] : memref<2048xf32, #tpu.memory_space<vmem>> -> memref<128xf32, #tpu.memory_space<vmem>>
      %dma_wait3A_296 = tpu.memref_slice %arg4[%add3A_19, %multiple_of3A_131] : memref<1024x100096xf32, #tpu.memory_space<hbm>> -> memref<1x128xf32, #tpu.memory_space<hbm>>
      %dma_wait3A_297 = tpu.memref_squeeze %dma_wait3A_296 : memref<1x128xf32, #tpu.memory_space<hbm>> -> memref<128xf32, #tpu.memory_space<hbm>>
      %dma_wait3A_298 = arith.constant 1024 : i32
      %dma_wait3A_299 = tpu.memref_slice %arg9[%dma_wait3A_298] : memref<2048xf32, #tpu.memory_space<vmem>> -> memref<128xf32, #tpu.memory_space<vmem>>
      %dma_wait3A_300 = tpu.memref_slice %arg4[%add3A_19, %multiple_of3A_131] : memref<1024x100096xf32, #tpu.memory_space<hbm>> -> memref<1x128xf32, #tpu.memory_space<hbm>>
      %dma_wait3A_301 = tpu.memref_squeeze %dma_wait3A_300 : memref<1x128xf32, #tpu.memory_space<hbm>> -> memref<128xf32, #tpu.memory_space<hbm>>
      tpu.wait_dma2 semaphore(%arg12 : memref<!tpu.dma_semaphore, #tpu.memory_space<semaphore_mem>>) src(%dma_wait3A_301 : memref<128xf32, #tpu.memory_space<hbm>>) dst(%dma_wait3A_299 : memref<128xf32, #tpu.memory_space<vmem>>)
      %dma_wait3A_302 = arith.constant 1152 : i32
      %dma_wait3A_303 = tpu.memref_slice %arg9[%dma_wait3A_302] : memref<2048xf32, #tpu.memory_space<vmem>> -> memref<128xf32, #tpu.memory_space<vmem>>
      %dma_wait3A_304 = tpu.memref_slice %arg4[%add3A_19, %multiple_of3A_144] : memref<1024x100096xf32, #tpu.memory_space<hbm>> -> memref<1x128xf32, #tpu.memory_space<hbm>>
      %dma_wait3A_305 = tpu.memref_squeeze %dma_wait3A_304 : memref<1x128xf32, #tpu.memory_space<hbm>> -> memref<128xf32, #tpu.memory_space<hbm>>
      %dma_wait3A_306 = arith.constant 1152 : i32
      %dma_wait3A_307 = tpu.memref_slice %arg9[%dma_wait3A_306] : memref<2048xf32, #tpu.memory_space<vmem>> -> memref<128xf32, #tpu.memory_space<vmem>>
      %dma_wait3A_308 = tpu.memref_slice %arg4[%add3A_19, %multiple_of3A_144] : memref<1024x100096xf32, #tpu.memory_space<hbm>> -> memref<1x128xf32, #tpu.memory_space<hbm>>
      %dma_wait3A_309 = tpu.memref_squeeze %dma_wait3A_308 : memref<1x128xf32, #tpu.memory_space<hbm>> -> memref<128xf32, #tpu.memory_space<hbm>>
      tpu.wait_dma2 semaphore(%arg12 : memref<!tpu.dma_semaphore, #tpu.memory_space<semaphore_mem>>) src(%dma_wait3A_309 : memref<128xf32, #tpu.memory_space<hbm>>) dst(%dma_wait3A_307 : memref<128xf32, #tpu.memory_space<vmem>>)
      %dma_wait3A_310 = arith.constant 1280 : i32
      %dma_wait3A_311 = tpu.memref_slice %arg9[%dma_wait3A_310] : memref<2048xf32, #tpu.memory_space<vmem>> -> memref<128xf32, #tpu.memory_space<vmem>>
      %dma_wait3A_312 = tpu.memref_slice %arg4[%add3A_19, %multiple_of3A_157] : memref<1024x100096xf32, #tpu.memory_space<hbm>> -> memref<1x128xf32, #tpu.memory_space<hbm>>
      %dma_wait3A_313 = tpu.memref_squeeze %dma_wait3A_312 : memref<1x128xf32, #tpu.memory_space<hbm>> -> memref<128xf32, #tpu.memory_space<hbm>>
      %dma_wait3A_314 = arith.constant 1280 : i32
      %dma_wait3A_315 = tpu.memref_slice %arg9[%dma_wait3A_314] : memref<2048xf32, #tpu.memory_space<vmem>> -> memref<128xf32, #tpu.memory_space<vmem>>
      %dma_wait3A_316 = tpu.memref_slice %arg4[%add3A_19, %multiple_of3A_157] : memref<1024x100096xf32, #tpu.memory_space<hbm>> -> memref<1x128xf32, #tpu.memory_space<hbm>>
      %dma_wait3A_317 = tpu.memref_squeeze %dma_wait3A_316 : memref<1x128xf32, #tpu.memory_space<hbm>> -> memref<128xf32, #tpu.memory_space<hbm>>
      tpu.wait_dma2 semaphore(%arg12 : memref<!tpu.dma_semaphore, #tpu.memory_space<semaphore_mem>>) src(%dma_wait3A_317 : memref<128xf32, #tpu.memory_space<hbm>>) dst(%dma_wait3A_315 : memref<128xf32, #tpu.memory_space<vmem>>)
      %dma_wait3A_318 = arith.constant 1408 : i32
      %dma_wait3A_319 = tpu.memref_slice %arg9[%dma_wait3A_318] : memref<2048xf32, #tpu.memory_space<vmem>> -> memref<128xf32, #tpu.memory_space<vmem>>
      %dma_wait3A_320 = tpu.memref_slice %arg4[%add3A_19, %multiple_of3A_170] : memref<1024x100096xf32, #tpu.memory_space<hbm>> -> memref<1x128xf32, #tpu.memory_space<hbm>>
      %dma_wait3A_321 = tpu.memref_squeeze %dma_wait3A_320 : memref<1x128xf32, #tpu.memory_space<hbm>> -> memref<128xf32, #tpu.memory_space<hbm>>
      %dma_wait3A_322 = arith.constant 1408 : i32
      %dma_wait3A_323 = tpu.memref_slice %arg9[%dma_wait3A_322] : memref<2048xf32, #tpu.memory_space<vmem>> -> memref<128xf32, #tpu.memory_space<vmem>>
      %dma_wait3A_324 = tpu.memref_slice %arg4[%add3A_19, %multiple_of3A_170] : memref<1024x100096xf32, #tpu.memory_space<hbm>> -> memref<1x128xf32, #tpu.memory_space<hbm>>
      %dma_wait3A_325 = tpu.memref_squeeze %dma_wait3A_324 : memref<1x128xf32, #tpu.memory_space<hbm>> -> memref<128xf32, #tpu.memory_space<hbm>>
      tpu.wait_dma2 semaphore(%arg12 : memref<!tpu.dma_semaphore, #tpu.memory_space<semaphore_mem>>) src(%dma_wait3A_325 : memref<128xf32, #tpu.memory_space<hbm>>) dst(%dma_wait3A_323 : memref<128xf32, #tpu.memory_space<vmem>>)
      %dma_wait3A_326 = arith.constant 1536 : i32
      %dma_wait3A_327 = tpu.memref_slice %arg9[%dma_wait3A_326] : memref<2048xf32, #tpu.memory_space<vmem>> -> memref<128xf32, #tpu.memory_space<vmem>>
      %dma_wait3A_328 = tpu.memref_slice %arg4[%add3A_19, %multiple_of3A_183] : memref<1024x100096xf32, #tpu.memory_space<hbm>> -> memref<1x128xf32, #tpu.memory_space<hbm>>
      %dma_wait3A_329 = tpu.memref_squeeze %dma_wait3A_328 : memref<1x128xf32, #tpu.memory_space<hbm>> -> memref<128xf32, #tpu.memory_space<hbm>>
      %dma_wait3A_330 = arith.constant 1536 : i32
      %dma_wait3A_331 = tpu.memref_slice %arg9[%dma_wait3A_330] : memref<2048xf32, #tpu.memory_space<vmem>> -> memref<128xf32, #tpu.memory_space<vmem>>
      %dma_wait3A_332 = tpu.memref_slice %arg4[%add3A_19, %multiple_of3A_183] : memref<1024x100096xf32, #tpu.memory_space<hbm>> -> memref<1x128xf32, #tpu.memory_space<hbm>>
      %dma_wait3A_333 = tpu.memref_squeeze %dma_wait3A_332 : memref<1x128xf32, #tpu.memory_space<hbm>> -> memref<128xf32, #tpu.memory_space<hbm>>
      tpu.wait_dma2 semaphore(%arg12 : memref<!tpu.dma_semaphore, #tpu.memory_space<semaphore_mem>>) src(%dma_wait3A_333 : memref<128xf32, #tpu.memory_space<hbm>>) dst(%dma_wait3A_331 : memref<128xf32, #tpu.memory_space<vmem>>)
      %dma_wait3A_334 = arith.constant 1664 : i32
      %dma_wait3A_335 = tpu.memref_slice %arg9[%dma_wait3A_334] : memref<2048xf32, #tpu.memory_space<vmem>> -> memref<128xf32, #tpu.memory_space<vmem>>
      %dma_wait3A_336 = tpu.memref_slice %arg4[%add3A_19, %multiple_of3A_196] : memref<1024x100096xf32, #tpu.memory_space<hbm>> -> memref<1x128xf32, #tpu.memory_space<hbm>>
      %dma_wait3A_337 = tpu.memref_squeeze %dma_wait3A_336 : memref<1x128xf32, #tpu.memory_space<hbm>> -> memref<128xf32, #tpu.memory_space<hbm>>
      %dma_wait3A_338 = arith.constant 1664 : i32
      %dma_wait3A_339 = tpu.memref_slice %arg9[%dma_wait3A_338] : memref<2048xf32, #tpu.memory_space<vmem>> -> memref<128xf32, #tpu.memory_space<vmem>>
      %dma_wait3A_340 = tpu.memref_slice %arg4[%add3A_19, %multiple_of3A_196] : memref<1024x100096xf32, #tpu.memory_space<hbm>> -> memref<1x128xf32, #tpu.memory_space<hbm>>
      %dma_wait3A_341 = tpu.memref_squeeze %dma_wait3A_340 : memref<1x128xf32, #tpu.memory_space<hbm>> -> memref<128xf32, #tpu.memory_space<hbm>>
      tpu.wait_dma2 semaphore(%arg12 : memref<!tpu.dma_semaphore, #tpu.memory_space<semaphore_mem>>) src(%dma_wait3A_341 : memref<128xf32, #tpu.memory_space<hbm>>) dst(%dma_wait3A_339 : memref<128xf32, #tpu.memory_space<vmem>>)
      %dma_wait3A_342 = arith.constant 1792 : i32
      %dma_wait3A_343 = tpu.memref_slice %arg9[%dma_wait3A_342] : memref<2048xf32, #tpu.memory_space<vmem>> -> memref<128xf32, #tpu.memory_space<vmem>>
      %dma_wait3A_344 = tpu.memref_slice %arg4[%add3A_19, %multiple_of3A_209] : memref<1024x100096xf32, #tpu.memory_space<hbm>> -> memref<1x128xf32, #tpu.memory_space<hbm>>
      %dma_wait3A_345 = tpu.memref_squeeze %dma_wait3A_344 : memref<1x128xf32, #tpu.memory_space<hbm>> -> memref<128xf32, #tpu.memory_space<hbm>>
      %dma_wait3A_346 = arith.constant 1792 : i32
      %dma_wait3A_347 = tpu.memref_slice %arg9[%dma_wait3A_346] : memref<2048xf32, #tpu.memory_space<vmem>> -> memref<128xf32, #tpu.memory_space<vmem>>
      %dma_wait3A_348 = tpu.memref_slice %arg4[%add3A_19, %multiple_of3A_209] : memref<1024x100096xf32, #tpu.memory_space<hbm>> -> memref<1x128xf32, #tpu.memory_space<hbm>>
      %dma_wait3A_349 = tpu.memref_squeeze %dma_wait3A_348 : memref<1x128xf32, #tpu.memory_space<hbm>> -> memref<128xf32, #tpu.memory_space<hbm>>
      tpu.wait_dma2 semaphore(%arg12 : memref<!tpu.dma_semaphore, #tpu.memory_space<semaphore_mem>>) src(%dma_wait3A_349 : memref<128xf32, #tpu.memory_space<hbm>>) dst(%dma_wait3A_347 : memref<128xf32, #tpu.memory_space<vmem>>)
      %dma_wait3A_350 = arith.constant 1920 : i32
      %dma_wait3A_351 = tpu.memref_slice %arg9[%dma_wait3A_350] : memref<2048xf32, #tpu.memory_space<vmem>> -> memref<128xf32, #tpu.memory_space<vmem>>
      %dma_wait3A_352 = tpu.memref_slice %arg4[%add3A_19, %multiple_of3A_222] : memref<1024x100096xf32, #tpu.memory_space<hbm>> -> memref<1x128xf32, #tpu.memory_space<hbm>>
      %dma_wait3A_353 = tpu.memref_squeeze %dma_wait3A_352 : memref<1x128xf32, #tpu.memory_space<hbm>> -> memref<128xf32, #tpu.memory_space<hbm>>
      %dma_wait3A_354 = arith.constant 1920 : i32
      %dma_wait3A_355 = tpu.memref_slice %arg9[%dma_wait3A_354] : memref<2048xf32, #tpu.memory_space<vmem>> -> memref<128xf32, #tpu.memory_space<vmem>>
      %dma_wait3A_356 = tpu.memref_slice %arg4[%add3A_19, %multiple_of3A_222] : memref<1024x100096xf32, #tpu.memory_space<hbm>> -> memref<1x128xf32, #tpu.memory_space<hbm>>
      %dma_wait3A_357 = tpu.memref_squeeze %dma_wait3A_356 : memref<1x128xf32, #tpu.memory_space<hbm>> -> memref<128xf32, #tpu.memory_space<hbm>>
      tpu.wait_dma2 semaphore(%arg12 : memref<!tpu.dma_semaphore, #tpu.memory_space<semaphore_mem>>) src(%dma_wait3A_357 : memref<128xf32, #tpu.memory_space<hbm>>) dst(%dma_wait3A_355 : memref<128xf32, #tpu.memory_space<vmem>>)
      %get3A = arith.constant 0 : index
      %get3A_358 = tpu.vector_load %arg8[%get3A] {strides = array<i32>} : memref<16xf32, #tpu.memory_space<vmem>>, vector<16xf32>,
      %slice3A_359 = vector.extract_strided_slice %get3A_358 {offsets = [10], sizes = [1], strides = [1]} : vector<16xf32> to vector<1xf32>
      %squeeze3A_360 = vector.extract %slice3A_359[0] : f32 from vector<1xf32>
      %scan3A_361 = arith.constant 0x7F800000 : f32
      %scan3A_362 = arith.constant 0 : i32
      %scan3A_363 = arith.constant 16 : i32
      %scan3A_364 = arith.addi %scan3A_362, %scan3A_363 : i32
      %scan3A_365 = arith.constant 1 : i32
      %scan3A_366:3 = scf.for %scan3A_396 = %scan3A_362 to %scan3A_364 step %scan3A_365 iter_args(%scan3A_397 = %broadcast_in_dim3A_3, %scan3A_398 = %broadcast_in_dim3A_5, %scan3A_399 = %scan3A_361) -> (vector<16xf32>, vector<16xi32>, f32)  : i32 {
        %broadcast_in_dim3A_400 = vector.broadcast %scan3A_396 : i32 to vector<16xi32>
        %lt3A = arith.constant 0 : i32
        %lt3A_401 = vector.broadcast %lt3A : i32 to vector<16xi32>
        %lt3A_402 = arith.cmpi slt, %broadcast_in_dim3A_400, %lt3A_401 : vector<16xi32>
        %add3A_403 = arith.constant 16 : i32
        %add3A_404 = vector.broadcast %add3A_403 : i32 to vector<16xi32>
        %add3A_405 = arith.addi %broadcast_in_dim3A_400, %add3A_404 : vector<16xi32>
        %select_n3A_406 = arith.select %lt3A_402, %add3A_405, %broadcast_in_dim3A_400 : vector<16xi1>, vector<16xi32>
        %reshape3A = vector.shape_cast %select_n3A_406 : vector<16xi32> to vector<16x1xi32>
        %gather3A_407 = vector.shape_cast %reshape3A : vector<16x1xi32> to vector<16xi32>
        %gather3A_408 = tpu.dynamic_gather %scan3A_25#1[%gather3A_407] in [0] : vector<16xi32>, vector<16xi32> -> vector<16xi32>
        %mul3A_409 = arith.constant 128 : i32
        %mul3A_410 = arith.muli %scan3A_396, %mul3A_409 : i32
        %add3A_411 = arith.constant 0 : i32
        %add3A_412 = arith.addi %mul3A_410, %add3A_411 : i32
        %get3A_413 = arith.index_cast %add3A_412 : i32 to index
        %get3A_414 = tpu.vector_load %arg9[%get3A_413] {strides = array<i32>} : memref<2048xf32, #tpu.memory_space<vmem>>, vector<16xf32>,
        %mul3A_415 = arith.constant 128 : i32
        %mul3A_416 = vector.broadcast %mul3A_415 : i32 to vector<16xi32>
        %mul3A_417 = arith.muli %gather3A_408, %mul3A_416 : vector<16xi32>
        %add3A_418 = arith.constant 0 : i32
        %add3A_419 = vector.broadcast %add3A_418 : i32 to vector<16xi32>
        %add3A_420 = arith.addi %mul3A_417, %add3A_419 : vector<16xi32>
        %add3A_421 = arith.addi %add3A_420, %iota3A : vector<16xi32>
        %reduce_min3A = arith.constant true
        %reduce_min3A_422 = vector.broadcast %reduce_min3A : i1 to vector<16xi1>
        %reduce_min3A_423 = tpu.scan <min>, %get3A_414 masked %reduce_min3A_422 : vector<16xf32>, vector<16xi1> -> vector<16xf32>
        %reduce_min3A_424 = vector.extract %reduce_min3A_423[15] : f32 from vector<16xf32>
        %le3A = arith.cmpf ole, %reduce_min3A_424, %scan3A_399 : f32
        %convert_element_type3A = arith.extui %le3A : i1 to i32
        %cond3A = arith.constant 0 : i32
        %cond3A_425 = arith.cmpi ne, %convert_element_type3A, %cond3A : i32
        %cond3A_426:3 = scf.if %cond3A_425 -> (vector<16xf32>, vector<16xi32>, f32) {
          %masked_sort3A = arith.constant dense<true> : vector<16xi1>
          %masked_sort3A_581, %masked_sort3A_582, %masked_sort3A_583 = tpu.sort %get3A_414, %add3A_421 masked %masked_sort3A : (vector<16xf32>, vector<16xi32>, vector<16xi1>) -> (vector<16xi1>, vector<16xf32>, vector<16xi32>)
          %rev3A = arith.constant 15 : i32
          %rev3A_584 = vector.broadcast %rev3A : i32 to vector<16xi32>
          %rev3A_585 = tpu.iota {dimensions = array<i32: 0>} : vector<16xi32>
          %rev3A_586 = arith.subi %rev3A_584, %rev3A_585 : vector<16xi32>
          %rev3A_587 = tpu.dynamic_gather %masked_sort3A_582[%rev3A_586] in [0] : vector<16xf32>, vector<16xi32> -> vector<16xf32>
          %rev3A_588 = arith.constant 15 : i32
          %rev3A_589 = vector.broadcast %rev3A_588 : i32 to vector<16xi32>
          %rev3A_590 = tpu.iota {dimensions = array<i32: 0>} : vector<16xi32>
          %rev3A_591 = arith.subi %rev3A_589, %rev3A_590 : vector<16xi32>
          %rev3A_592 = tpu.dynamic_gather %masked_sort3A_583[%rev3A_591] in [0] : vector<16xi32>, vector<16xi32> -> vector<16xi32>
          %lt3A_593 = arith.cmpf olt, %scan3A_397, %rev3A_587 : vector<16xf32>
          %eq3A_594 = arith.cmpf oeq, %scan3A_397, %rev3A_587 : vector<16xf32>
          %lt3A_595 = arith.cmpi slt, %scan3A_398, %rev3A_592 : vector<16xi32>
          %and3A = arith.andi %eq3A_594, %lt3A_595 : vector<16xi1>
          %or3A = arith.ori %lt3A_593, %and3A : vector<16xi1>
          %select_n3A_596 = arith.select %or3A, %scan3A_397, %rev3A_587 : vector<16xi1>, vector<16xf32>
          %select_n3A_597 = arith.select %or3A, %scan3A_398, %rev3A_592 : vector<16xi1>, vector<16xi32>
          %masked_sort3A_598 = arith.constant dense<true> : vector<16xi1>
          %masked_sort3A_599, %masked_sort3A_600, %masked_sort3A_601 = tpu.sort %select_n3A_596, %select_n3A_597 masked %masked_sort3A_598 : (vector<16xf32>, vector<16xi32>, vector<16xi1>) -> (vector<16xi1>, vector<16xf32>, vector<16xi32>)
          %reduce_max3A = arith.constant true
          %reduce_max3A_602 = vector.broadcast %reduce_max3A : i1 to vector<16xi1>
          %reduce_max3A_603 = tpu.scan <max>, %masked_sort3A_600 masked %reduce_max3A_602 : vector<16xf32>, vector<16xi1> -> vector<16xf32>
          %reduce_max3A_604 = vector.extract %reduce_max3A_603[15] : f32 from vector<16xf32>
          scf.yield %masked_sort3A_600, %masked_sort3A_601, %reduce_max3A_604 : vector<16xf32>, vector<16xi32>, f32
        } else {
          scf.yield %scan3A_397, %scan3A_398, %scan3A_399 : vector<16xf32>, vector<16xi32>, f32
        }
        %mul3A_427 = arith.constant 128 : i32
        %mul3A_428 = arith.muli %scan3A_396, %mul3A_427 : i32
        %add3A_429 = arith.constant 16 : i32
        %add3A_430 = arith.addi %mul3A_428, %add3A_429 : i32
        %get3A_431 = arith.index_cast %add3A_430 : i32 to index
        %get3A_432 = tpu.vector_load %arg9[%get3A_431] {strides = array<i32>} : memref<2048xf32, #tpu.memory_space<vmem>>, vector<16xf32>,
        %mul3A_433 = arith.constant 128 : i32
        %mul3A_434 = vector.broadcast %mul3A_433 : i32 to vector<16xi32>
        %mul3A_435 = arith.muli %gather3A_408, %mul3A_434 : vector<16xi32>
        %add3A_436 = arith.constant 16 : i32
        %add3A_437 = vector.broadcast %add3A_436 : i32 to vector<16xi32>
        %add3A_438 = arith.addi %mul3A_435, %add3A_437 : vector<16xi32>
        %add3A_439 = arith.addi %add3A_438, %iota3A : vector<16xi32>
        %reduce_min3A_440 = arith.constant true
        %reduce_min3A_441 = vector.broadcast %reduce_min3A_440 : i1 to vector<16xi1>
        %reduce_min3A_442 = tpu.scan <min>, %get3A_432 masked %reduce_min3A_441 : vector<16xf32>, vector<16xi1> -> vector<16xf32>
        %reduce_min3A_443 = vector.extract %reduce_min3A_442[15] : f32 from vector<16xf32>
        %le3A_444 = arith.cmpf ole, %reduce_min3A_443, %cond3A_426#2 : f32
        %convert_element_type3A_445 = arith.extui %le3A_444 : i1 to i32
        %cond3A_446 = arith.constant 0 : i32
        %cond3A_447 = arith.cmpi ne, %convert_element_type3A_445, %cond3A_446 : i32
        %cond3A_448:3 = scf.if %cond3A_447 -> (vector<16xf32>, vector<16xi32>, f32) {
          %masked_sort3A = arith.constant dense<true> : vector<16xi1>
          %masked_sort3A_581, %masked_sort3A_582, %masked_sort3A_583 = tpu.sort %get3A_432, %add3A_439 masked %masked_sort3A : (vector<16xf32>, vector<16xi32>, vector<16xi1>) -> (vector<16xi1>, vector<16xf32>, vector<16xi32>)
          %rev3A = arith.constant 15 : i32
          %rev3A_584 = vector.broadcast %rev3A : i32 to vector<16xi32>
          %rev3A_585 = tpu.iota {dimensions = array<i32: 0>} : vector<16xi32>
          %rev3A_586 = arith.subi %rev3A_584, %rev3A_585 : vector<16xi32>
          %rev3A_587 = tpu.dynamic_gather %masked_sort3A_582[%rev3A_586] in [0] : vector<16xf32>, vector<16xi32> -> vector<16xf32>
          %rev3A_588 = arith.constant 15 : i32
          %rev3A_589 = vector.broadcast %rev3A_588 : i32 to vector<16xi32>
          %rev3A_590 = tpu.iota {dimensions = array<i32: 0>} : vector<16xi32>
          %rev3A_591 = arith.subi %rev3A_589, %rev3A_590 : vector<16xi32>
          %rev3A_592 = tpu.dynamic_gather %masked_sort3A_583[%rev3A_591] in [0] : vector<16xi32>, vector<16xi32> -> vector<16xi32>
          %lt3A_593 = arith.cmpf olt, %cond3A_426#0, %rev3A_587 : vector<16xf32>
          %eq3A_594 = arith.cmpf oeq, %cond3A_426#0, %rev3A_587 : vector<16xf32>
          %lt3A_595 = arith.cmpi slt, %cond3A_426#1, %rev3A_592 : vector<16xi32>
          %and3A = arith.andi %eq3A_594, %lt3A_595 : vector<16xi1>
          %or3A = arith.ori %lt3A_593, %and3A : vector<16xi1>
          %select_n3A_596 = arith.select %or3A, %cond3A_426#0, %rev3A_587 : vector<16xi1>, vector<16xf32>
          %select_n3A_597 = arith.select %or3A, %cond3A_426#1, %rev3A_592 : vector<16xi1>, vector<16xi32>
          %masked_sort3A_598 = arith.constant dense<true> : vector<16xi1>
          %masked_sort3A_599, %masked_sort3A_600, %masked_sort3A_601 = tpu.sort %select_n3A_596, %select_n3A_597 masked %masked_sort3A_598 : (vector<16xf32>, vector<16xi32>, vector<16xi1>) -> (vector<16xi1>, vector<16xf32>, vector<16xi32>)
          %reduce_max3A = arith.constant true
          %reduce_max3A_602 = vector.broadcast %reduce_max3A : i1 to vector<16xi1>
          %reduce_max3A_603 = tpu.scan <max>, %masked_sort3A_600 masked %reduce_max3A_602 : vector<16xf32>, vector<16xi1> -> vector<16xf32>
          %reduce_max3A_604 = vector.extract %reduce_max3A_603[15] : f32 from vector<16xf32>
          scf.yield %masked_sort3A_600, %masked_sort3A_601, %reduce_max3A_604 : vector<16xf32>, vector<16xi32>, f32
        } else {
          scf.yield %cond3A_426#0, %cond3A_426#1, %cond3A_426#2 : vector<16xf32>, vector<16xi32>, f32
        }
        %mul3A_449 = arith.constant 128 : i32
        %mul3A_450 = arith.muli %scan3A_396, %mul3A_449 : i32
        %add3A_451 = arith.constant 32 : i32
        %add3A_452 = arith.addi %mul3A_450, %add3A_451 : i32
        %get3A_453 = arith.index_cast %add3A_452 : i32 to index
        %get3A_454 = tpu.vector_load %arg9[%get3A_453] {strides = array<i32>} : memref<2048xf32, #tpu.memory_space<vmem>>, vector<16xf32>,
        %mul3A_455 = arith.constant 128 : i32
        %mul3A_456 = vector.broadcast %mul3A_455 : i32 to vector<16xi32>
        %mul3A_457 = arith.muli %gather3A_408, %mul3A_456 : vector<16xi32>
        %add3A_458 = arith.constant 32 : i32
        %add3A_459 = vector.broadcast %add3A_458 : i32 to vector<16xi32>
        %add3A_460 = arith.addi %mul3A_457, %add3A_459 : vector<16xi32>
        %add3A_461 = arith.addi %add3A_460, %iota3A : vector<16xi32>
        %reduce_min3A_462 = arith.constant true
        %reduce_min3A_463 = vector.broadcast %reduce_min3A_462 : i1 to vector<16xi1>
        %reduce_min3A_464 = tpu.scan <min>, %get3A_454 masked %reduce_min3A_463 : vector<16xf32>, vector<16xi1> -> vector<16xf32>
        %reduce_min3A_465 = vector.extract %reduce_min3A_464[15] : f32 from vector<16xf32>
        %le3A_466 = arith.cmpf ole, %reduce_min3A_465, %cond3A_448#2 : f32
        %convert_element_type3A_467 = arith.extui %le3A_466 : i1 to i32
        %cond3A_468 = arith.constant 0 : i32
        %cond3A_469 = arith.cmpi ne, %convert_element_type3A_467, %cond3A_468 : i32
        %cond3A_470:3 = scf.if %cond3A_469 -> (vector<16xf32>, vector<16xi32>, f32) {
          %masked_sort3A = arith.constant dense<true> : vector<16xi1>
          %masked_sort3A_581, %masked_sort3A_582, %masked_sort3A_583 = tpu.sort %get3A_454, %add3A_461 masked %masked_sort3A : (vector<16xf32>, vector<16xi32>, vector<16xi1>) -> (vector<16xi1>, vector<16xf32>, vector<16xi32>)
          %rev3A = arith.constant 15 : i32
          %rev3A_584 = vector.broadcast %rev3A : i32 to vector<16xi32>
          %rev3A_585 = tpu.iota {dimensions = array<i32: 0>} : vector<16xi32>
          %rev3A_586 = arith.subi %rev3A_584, %rev3A_585 : vector<16xi32>
          %rev3A_587 = tpu.dynamic_gather %masked_sort3A_582[%rev3A_586] in [0] : vector<16xf32>, vector<16xi32> -> vector<16xf32>
          %rev3A_588 = arith.constant 15 : i32
          %rev3A_589 = vector.broadcast %rev3A_588 : i32 to vector<16xi32>
          %rev3A_590 = tpu.iota {dimensions = array<i32: 0>} : vector<16xi32>
          %rev3A_591 = arith.subi %rev3A_589, %rev3A_590 : vector<16xi32>
          %rev3A_592 = tpu.dynamic_gather %masked_sort3A_583[%rev3A_591] in [0] : vector<16xi32>, vector<16xi32> -> vector<16xi32>
          %lt3A_593 = arith.cmpf olt, %cond3A_448#0, %rev3A_587 : vector<16xf32>
          %eq3A_594 = arith.cmpf oeq, %cond3A_448#0, %rev3A_587 : vector<16xf32>
          %lt3A_595 = arith.cmpi slt, %cond3A_448#1, %rev3A_592 : vector<16xi32>
          %and3A = arith.andi %eq3A_594, %lt3A_595 : vector<16xi1>
          %or3A = arith.ori %lt3A_593, %and3A : vector<16xi1>
          %select_n3A_596 = arith.select %or3A, %cond3A_448#0, %rev3A_587 : vector<16xi1>, vector<16xf32>
          %select_n3A_597 = arith.select %or3A, %cond3A_448#1, %rev3A_592 : vector<16xi1>, vector<16xi32>
          %masked_sort3A_598 = arith.constant dense<true> : vector<16xi1>
          %masked_sort3A_599, %masked_sort3A_600, %masked_sort3A_601 = tpu.sort %select_n3A_596, %select_n3A_597 masked %masked_sort3A_598 : (vector<16xf32>, vector<16xi32>, vector<16xi1>) -> (vector<16xi1>, vector<16xf32>, vector<16xi32>)
          %reduce_max3A = arith.constant true
          %reduce_max3A_602 = vector.broadcast %reduce_max3A : i1 to vector<16xi1>
          %reduce_max3A_603 = tpu.scan <max>, %masked_sort3A_600 masked %reduce_max3A_602 : vector<16xf32>, vector<16xi1> -> vector<16xf32>
          %reduce_max3A_604 = vector.extract %reduce_max3A_603[15] : f32 from vector<16xf32>
          scf.yield %masked_sort3A_600, %masked_sort3A_601, %reduce_max3A_604 : vector<16xf32>, vector<16xi32>, f32
        } else {
          scf.yield %cond3A_448#0, %cond3A_448#1, %cond3A_448#2 : vector<16xf32>, vector<16xi32>, f32
        }
        %mul3A_471 = arith.constant 128 : i32
        %mul3A_472 = arith.muli %scan3A_396, %mul3A_471 : i32
        %add3A_473 = arith.constant 48 : i32
        %add3A_474 = arith.addi %mul3A_472, %add3A_473 : i32
        %get3A_475 = arith.index_cast %add3A_474 : i32 to index
        %get3A_476 = tpu.vector_load %arg9[%get3A_475] {strides = array<i32>} : memref<2048xf32, #tpu.memory_space<vmem>>, vector<16xf32>,
        %mul3A_477 = arith.constant 128 : i32
        %mul3A_478 = vector.broadcast %mul3A_477 : i32 to vector<16xi32>
        %mul3A_479 = arith.muli %gather3A_408, %mul3A_478 : vector<16xi32>
        %add3A_480 = arith.constant 48 : i32
        %add3A_481 = vector.broadcast %add3A_480 : i32 to vector<16xi32>
        %add3A_482 = arith.addi %mul3A_479, %add3A_481 : vector<16xi32>
        %add3A_483 = arith.addi %add3A_482, %iota3A : vector<16xi32>
        %reduce_min3A_484 = arith.constant true
        %reduce_min3A_485 = vector.broadcast %reduce_min3A_484 : i1 to vector<16xi1>
        %reduce_min3A_486 = tpu.scan <min>, %get3A_476 masked %reduce_min3A_485 : vector<16xf32>, vector<16xi1> -> vector<16xf32>
        %reduce_min3A_487 = vector.extract %reduce_min3A_486[15] : f32 from vector<16xf32>
        %le3A_488 = arith.cmpf ole, %reduce_min3A_487, %cond3A_470#2 : f32
        %convert_element_type3A_489 = arith.extui %le3A_488 : i1 to i32
        %cond3A_490 = arith.constant 0 : i32
        %cond3A_491 = arith.cmpi ne, %convert_element_type3A_489, %cond3A_490 : i32
        %cond3A_492:3 = scf.if %cond3A_491 -> (vector<16xf32>, vector<16xi32>, f32) {
          %masked_sort3A = arith.constant dense<true> : vector<16xi1>
          %masked_sort3A_581, %masked_sort3A_582, %masked_sort3A_583 = tpu.sort %get3A_476, %add3A_483 masked %masked_sort3A : (vector<16xf32>, vector<16xi32>, vector<16xi1>) -> (vector<16xi1>, vector<16xf32>, vector<16xi32>)
          %rev3A = arith.constant 15 : i32
          %rev3A_584 = vector.broadcast %rev3A : i32 to vector<16xi32>
          %rev3A_585 = tpu.iota {dimensions = array<i32: 0>} : vector<16xi32>
          %rev3A_586 = arith.subi %rev3A_584, %rev3A_585 : vector<16xi32>
          %rev3A_587 = tpu.dynamic_gather %masked_sort3A_582[%rev3A_586] in [0] : vector<16xf32>, vector<16xi32> -> vector<16xf32>
          %rev3A_588 = arith.constant 15 : i32
          %rev3A_589 = vector.broadcast %rev3A_588 : i32 to vector<16xi32>
          %rev3A_590 = tpu.iota {dimensions = array<i32: 0>} : vector<16xi32>
          %rev3A_591 = arith.subi %rev3A_589, %rev3A_590 : vector<16xi32>
          %rev3A_592 = tpu.dynamic_gather %masked_sort3A_583[%rev3A_591] in [0] : vector<16xi32>, vector<16xi32> -> vector<16xi32>
          %lt3A_593 = arith.cmpf olt, %cond3A_470#0, %rev3A_587 : vector<16xf32>
          %eq3A_594 = arith.cmpf oeq, %cond3A_470#0, %rev3A_587 : vector<16xf32>
          %lt3A_595 = arith.cmpi slt, %cond3A_470#1, %rev3A_592 : vector<16xi32>
          %and3A = arith.andi %eq3A_594, %lt3A_595 : vector<16xi1>
          %or3A = arith.ori %lt3A_593, %and3A : vector<16xi1>
          %select_n3A_596 = arith.select %or3A, %cond3A_470#0, %rev3A_587 : vector<16xi1>, vector<16xf32>
          %select_n3A_597 = arith.select %or3A, %cond3A_470#1, %rev3A_592 : vector<16xi1>, vector<16xi32>
          %masked_sort3A_598 = arith.constant dense<true> : vector<16xi1>
          %masked_sort3A_599, %masked_sort3A_600, %masked_sort3A_601 = tpu.sort %select_n3A_596, %select_n3A_597 masked %masked_sort3A_598 : (vector<16xf32>, vector<16xi32>, vector<16xi1>) -> (vector<16xi1>, vector<16xf32>, vector<16xi32>)
          %reduce_max3A = arith.constant true
          %reduce_max3A_602 = vector.broadcast %reduce_max3A : i1 to vector<16xi1>
          %reduce_max3A_603 = tpu.scan <max>, %masked_sort3A_600 masked %reduce_max3A_602 : vector<16xf32>, vector<16xi1> -> vector<16xf32>
          %reduce_max3A_604 = vector.extract %reduce_max3A_603[15] : f32 from vector<16xf32>
          scf.yield %masked_sort3A_600, %masked_sort3A_601, %reduce_max3A_604 : vector<16xf32>, vector<16xi32>, f32
        } else {
          scf.yield %cond3A_470#0, %cond3A_470#1, %cond3A_470#2 : vector<16xf32>, vector<16xi32>, f32
        }
        %mul3A_493 = arith.constant 128 : i32
        %mul3A_494 = arith.muli %scan3A_396, %mul3A_493 : i32
        %add3A_495 = arith.constant 64 : i32
        %add3A_496 = arith.addi %mul3A_494, %add3A_495 : i32
        %get3A_497 = arith.index_cast %add3A_496 : i32 to index
        %get3A_498 = tpu.vector_load %arg9[%get3A_497] {strides = array<i32>} : memref<2048xf32, #tpu.memory_space<vmem>>, vector<16xf32>,
        %mul3A_499 = arith.constant 128 : i32
        %mul3A_500 = vector.broadcast %mul3A_499 : i32 to vector<16xi32>
        %mul3A_501 = arith.muli %gather3A_408, %mul3A_500 : vector<16xi32>
        %add3A_502 = arith.constant 64 : i32
        %add3A_503 = vector.broadcast %add3A_502 : i32 to vector<16xi32>
        %add3A_504 = arith.addi %mul3A_501, %add3A_503 : vector<16xi32>
        %add3A_505 = arith.addi %add3A_504, %iota3A : vector<16xi32>
        %reduce_min3A_506 = arith.constant true
        %reduce_min3A_507 = vector.broadcast %reduce_min3A_506 : i1 to vector<16xi1>
        %reduce_min3A_508 = tpu.scan <min>, %get3A_498 masked %reduce_min3A_507 : vector<16xf32>, vector<16xi1> -> vector<16xf32>
        %reduce_min3A_509 = vector.extract %reduce_min3A_508[15] : f32 from vector<16xf32>
        %le3A_510 = arith.cmpf ole, %reduce_min3A_509, %cond3A_492#2 : f32
        %convert_element_type3A_511 = arith.extui %le3A_510 : i1 to i32
        %cond3A_512 = arith.constant 0 : i32
        %cond3A_513 = arith.cmpi ne, %convert_element_type3A_511, %cond3A_512 : i32
        %cond3A_514:3 = scf.if %cond3A_513 -> (vector<16xf32>, vector<16xi32>, f32) {
          %masked_sort3A = arith.constant dense<true> : vector<16xi1>
          %masked_sort3A_581, %masked_sort3A_582, %masked_sort3A_583 = tpu.sort %get3A_498, %add3A_505 masked %masked_sort3A : (vector<16xf32>, vector<16xi32>, vector<16xi1>) -> (vector<16xi1>, vector<16xf32>, vector<16xi32>)
          %rev3A = arith.constant 15 : i32
          %rev3A_584 = vector.broadcast %rev3A : i32 to vector<16xi32>
          %rev3A_585 = tpu.iota {dimensions = array<i32: 0>} : vector<16xi32>
          %rev3A_586 = arith.subi %rev3A_584, %rev3A_585 : vector<16xi32>
          %rev3A_587 = tpu.dynamic_gather %masked_sort3A_582[%rev3A_586] in [0] : vector<16xf32>, vector<16xi32> -> vector<16xf32>
          %rev3A_588 = arith.constant 15 : i32
          %rev3A_589 = vector.broadcast %rev3A_588 : i32 to vector<16xi32>
          %rev3A_590 = tpu.iota {dimensions = array<i32: 0>} : vector<16xi32>
          %rev3A_591 = arith.subi %rev3A_589, %rev3A_590 : vector<16xi32>
          %rev3A_592 = tpu.dynamic_gather %masked_sort3A_583[%rev3A_591] in [0] : vector<16xi32>, vector<16xi32> -> vector<16xi32>
          %lt3A_593 = arith.cmpf olt, %cond3A_492#0, %rev3A_587 : vector<16xf32>
          %eq3A_594 = arith.cmpf oeq, %cond3A_492#0, %rev3A_587 : vector<16xf32>
          %lt3A_595 = arith.cmpi slt, %cond3A_492#1, %rev3A_592 : vector<16xi32>
          %and3A = arith.andi %eq3A_594, %lt3A_595 : vector<16xi1>
          %or3A = arith.ori %lt3A_593, %and3A : vector<16xi1>
          %select_n3A_596 = arith.select %or3A, %cond3A_492#0, %rev3A_587 : vector<16xi1>, vector<16xf32>
          %select_n3A_597 = arith.select %or3A, %cond3A_492#1, %rev3A_592 : vector<16xi1>, vector<16xi32>
          %masked_sort3A_598 = arith.constant dense<true> : vector<16xi1>
          %masked_sort3A_599, %masked_sort3A_600, %masked_sort3A_601 = tpu.sort %select_n3A_596, %select_n3A_597 masked %masked_sort3A_598 : (vector<16xf32>, vector<16xi32>, vector<16xi1>) -> (vector<16xi1>, vector<16xf32>, vector<16xi32>)
          %reduce_max3A = arith.constant true
          %reduce_max3A_602 = vector.broadcast %reduce_max3A : i1 to vector<16xi1>
          %reduce_max3A_603 = tpu.scan <max>, %masked_sort3A_600 masked %reduce_max3A_602 : vector<16xf32>, vector<16xi1> -> vector<16xf32>
          %reduce_max3A_604 = vector.extract %reduce_max3A_603[15] : f32 from vector<16xf32>
          scf.yield %masked_sort3A_600, %masked_sort3A_601, %reduce_max3A_604 : vector<16xf32>, vector<16xi32>, f32
        } else {
          scf.yield %cond3A_492#0, %cond3A_492#1, %cond3A_492#2 : vector<16xf32>, vector<16xi32>, f32
        }
        %mul3A_515 = arith.constant 128 : i32
        %mul3A_516 = arith.muli %scan3A_396, %mul3A_515 : i32
        %add3A_517 = arith.constant 80 : i32
        %add3A_518 = arith.addi %mul3A_516, %add3A_517 : i32
        %get3A_519 = arith.index_cast %add3A_518 : i32 to index
        %get3A_520 = tpu.vector_load %arg9[%get3A_519] {strides = array<i32>} : memref<2048xf32, #tpu.memory_space<vmem>>, vector<16xf32>,
        %mul3A_521 = arith.constant 128 : i32
        %mul3A_522 = vector.broadcast %mul3A_521 : i32 to vector<16xi32>
        %mul3A_523 = arith.muli %gather3A_408, %mul3A_522 : vector<16xi32>
        %add3A_524 = arith.constant 80 : i32
        %add3A_525 = vector.broadcast %add3A_524 : i32 to vector<16xi32>
        %add3A_526 = arith.addi %mul3A_523, %add3A_525 : vector<16xi32>
        %add3A_527 = arith.addi %add3A_526, %iota3A : vector<16xi32>
        %reduce_min3A_528 = arith.constant true
        %reduce_min3A_529 = vector.broadcast %reduce_min3A_528 : i1 to vector<16xi1>
        %reduce_min3A_530 = tpu.scan <min>, %get3A_520 masked %reduce_min3A_529 : vector<16xf32>, vector<16xi1> -> vector<16xf32>
        %reduce_min3A_531 = vector.extract %reduce_min3A_530[15] : f32 from vector<16xf32>
        %le3A_532 = arith.cmpf ole, %reduce_min3A_531, %cond3A_514#2 : f32
        %convert_element_type3A_533 = arith.extui %le3A_532 : i1 to i32
        %cond3A_534 = arith.constant 0 : i32
        %cond3A_535 = arith.cmpi ne, %convert_element_type3A_533, %cond3A_534 : i32
        %cond3A_536:3 = scf.if %cond3A_535 -> (vector<16xf32>, vector<16xi32>, f32) {
          %masked_sort3A = arith.constant dense<true> : vector<16xi1>
          %masked_sort3A_581, %masked_sort3A_582, %masked_sort3A_583 = tpu.sort %get3A_520, %add3A_527 masked %masked_sort3A : (vector<16xf32>, vector<16xi32>, vector<16xi1>) -> (vector<16xi1>, vector<16xf32>, vector<16xi32>)
          %rev3A = arith.constant 15 : i32
          %rev3A_584 = vector.broadcast %rev3A : i32 to vector<16xi32>
          %rev3A_585 = tpu.iota {dimensions = array<i32: 0>} : vector<16xi32>
          %rev3A_586 = arith.subi %rev3A_584, %rev3A_585 : vector<16xi32>
          %rev3A_587 = tpu.dynamic_gather %masked_sort3A_582[%rev3A_586] in [0] : vector<16xf32>, vector<16xi32> -> vector<16xf32>
          %rev3A_588 = arith.constant 15 : i32
          %rev3A_589 = vector.broadcast %rev3A_588 : i32 to vector<16xi32>
          %rev3A_590 = tpu.iota {dimensions = array<i32: 0>} : vector<16xi32>
          %rev3A_591 = arith.subi %rev3A_589, %rev3A_590 : vector<16xi32>
          %rev3A_592 = tpu.dynamic_gather %masked_sort3A_583[%rev3A_591] in [0] : vector<16xi32>, vector<16xi32> -> vector<16xi32>
          %lt3A_593 = arith.cmpf olt, %cond3A_514#0, %rev3A_587 : vector<16xf32>
          %eq3A_594 = arith.cmpf oeq, %cond3A_514#0, %rev3A_587 : vector<16xf32>
          %lt3A_595 = arith.cmpi slt, %cond3A_514#1, %rev3A_592 : vector<16xi32>
          %and3A = arith.andi %eq3A_594, %lt3A_595 : vector<16xi1>
          %or3A = arith.ori %lt3A_593, %and3A : vector<16xi1>
          %select_n3A_596 = arith.select %or3A, %cond3A_514#0, %rev3A_587 : vector<16xi1>, vector<16xf32>
          %select_n3A_597 = arith.select %or3A, %cond3A_514#1, %rev3A_592 : vector<16xi1>, vector<16xi32>
          %masked_sort3A_598 = arith.constant dense<true> : vector<16xi1>
          %masked_sort3A_599, %masked_sort3A_600, %masked_sort3A_601 = tpu.sort %select_n3A_596, %select_n3A_597 masked %masked_sort3A_598 : (vector<16xf32>, vector<16xi32>, vector<16xi1>) -> (vector<16xi1>, vector<16xf32>, vector<16xi32>)
          %reduce_max3A = arith.constant true
          %reduce_max3A_602 = vector.broadcast %reduce_max3A : i1 to vector<16xi1>
          %reduce_max3A_603 = tpu.scan <max>, %masked_sort3A_600 masked %reduce_max3A_602 : vector<16xf32>, vector<16xi1> -> vector<16xf32>
          %reduce_max3A_604 = vector.extract %reduce_max3A_603[15] : f32 from vector<16xf32>
          scf.yield %masked_sort3A_600, %masked_sort3A_601, %reduce_max3A_604 : vector<16xf32>, vector<16xi32>, f32
        } else {
          scf.yield %cond3A_514#0, %cond3A_514#1, %cond3A_514#2 : vector<16xf32>, vector<16xi32>, f32
        }
        %mul3A_537 = arith.constant 128 : i32
        %mul3A_538 = arith.muli %scan3A_396, %mul3A_537 : i32
        %add3A_539 = arith.constant 96 : i32
        %add3A_540 = arith.addi %mul3A_538, %add3A_539 : i32
        %get3A_541 = arith.index_cast %add3A_540 : i32 to index
        %get3A_542 = tpu.vector_load %arg9[%get3A_541] {strides = array<i32>} : memref<2048xf32, #tpu.memory_space<vmem>>, vector<16xf32>,
        %mul3A_543 = arith.constant 128 : i32
        %mul3A_544 = vector.broadcast %mul3A_543 : i32 to vector<16xi32>
        %mul3A_545 = arith.muli %gather3A_408, %mul3A_544 : vector<16xi32>
        %add3A_546 = arith.constant 96 : i32
        %add3A_547 = vector.broadcast %add3A_546 : i32 to vector<16xi32>
        %add3A_548 = arith.addi %mul3A_545, %add3A_547 : vector<16xi32>
        %add3A_549 = arith.addi %add3A_548, %iota3A : vector<16xi32>
        %reduce_min3A_550 = arith.constant true
        %reduce_min3A_551 = vector.broadcast %reduce_min3A_550 : i1 to vector<16xi1>
        %reduce_min3A_552 = tpu.scan <min>, %get3A_542 masked %reduce_min3A_551 : vector<16xf32>, vector<16xi1> -> vector<16xf32>
        %reduce_min3A_553 = vector.extract %reduce_min3A_552[15] : f32 from vector<16xf32>
        %le3A_554 = arith.cmpf ole, %reduce_min3A_553, %cond3A_536#2 : f32
        %convert_element_type3A_555 = arith.extui %le3A_554 : i1 to i32
        %cond3A_556 = arith.constant 0 : i32
        %cond3A_557 = arith.cmpi ne, %convert_element_type3A_555, %cond3A_556 : i32
        %cond3A_558:3 = scf.if %cond3A_557 -> (vector<16xf32>, vector<16xi32>, f32) {
          %masked_sort3A = arith.constant dense<true> : vector<16xi1>
          %masked_sort3A_581, %masked_sort3A_582, %masked_sort3A_583 = tpu.sort %get3A_542, %add3A_549 masked %masked_sort3A : (vector<16xf32>, vector<16xi32>, vector<16xi1>) -> (vector<16xi1>, vector<16xf32>, vector<16xi32>)
          %rev3A = arith.constant 15 : i32
          %rev3A_584 = vector.broadcast %rev3A : i32 to vector<16xi32>
          %rev3A_585 = tpu.iota {dimensions = array<i32: 0>} : vector<16xi32>
          %rev3A_586 = arith.subi %rev3A_584, %rev3A_585 : vector<16xi32>
          %rev3A_587 = tpu.dynamic_gather %masked_sort3A_582[%rev3A_586] in [0] : vector<16xf32>, vector<16xi32> -> vector<16xf32>
          %rev3A_588 = arith.constant 15 : i32
          %rev3A_589 = vector.broadcast %rev3A_588 : i32 to vector<16xi32>
          %rev3A_590 = tpu.iota {dimensions = array<i32: 0>} : vector<16xi32>
          %rev3A_591 = arith.subi %rev3A_589, %rev3A_590 : vector<16xi32>
          %rev3A_592 = tpu.dynamic_gather %masked_sort3A_583[%rev3A_591] in [0] : vector<16xi32>, vector<16xi32> -> vector<16xi32>
          %lt3A_593 = arith.cmpf olt, %cond3A_536#0, %rev3A_587 : vector<16xf32>
          %eq3A_594 = arith.cmpf oeq, %cond3A_536#0, %rev3A_587 : vector<16xf32>
          %lt3A_595 = arith.cmpi slt, %cond3A_536#1, %rev3A_592 : vector<16xi32>
          %and3A = arith.andi %eq3A_594, %lt3A_595 : vector<16xi1>
          %or3A = arith.ori %lt3A_593, %and3A : vector<16xi1>
          %select_n3A_596 = arith.select %or3A, %cond3A_536#0, %rev3A_587 : vector<16xi1>, vector<16xf32>
          %select_n3A_597 = arith.select %or3A, %cond3A_536#1, %rev3A_592 : vector<16xi1>, vector<16xi32>
          %masked_sort3A_598 = arith.constant dense<true> : vector<16xi1>
          %masked_sort3A_599, %masked_sort3A_600, %masked_sort3A_601 = tpu.sort %select_n3A_596, %select_n3A_597 masked %masked_sort3A_598 : (vector<16xf32>, vector<16xi32>, vector<16xi1>) -> (vector<16xi1>, vector<16xf32>, vector<16xi32>)
          %reduce_max3A = arith.constant true
          %reduce_max3A_602 = vector.broadcast %reduce_max3A : i1 to vector<16xi1>
          %reduce_max3A_603 = tpu.scan <max>, %masked_sort3A_600 masked %reduce_max3A_602 : vector<16xf32>, vector<16xi1> -> vector<16xf32>
          %reduce_max3A_604 = vector.extract %reduce_max3A_603[15] : f32 from vector<16xf32>
          scf.yield %masked_sort3A_600, %masked_sort3A_601, %reduce_max3A_604 : vector<16xf32>, vector<16xi32>, f32
        } else {
          scf.yield %cond3A_536#0, %cond3A_536#1, %cond3A_536#2 : vector<16xf32>, vector<16xi32>, f32
        }
        %mul3A_559 = arith.constant 128 : i32
        %mul3A_560 = arith.muli %scan3A_396, %mul3A_559 : i32
        %add3A_561 = arith.constant 112 : i32
        %add3A_562 = arith.addi %mul3A_560, %add3A_561 : i32
        %get3A_563 = arith.index_cast %add3A_562 : i32 to index
        %get3A_564 = tpu.vector_load %arg9[%get3A_563] {strides = array<i32>} : memref<2048xf32, #tpu.memory_space<vmem>>, vector<16xf32>,
        %mul3A_565 = arith.constant 128 : i32
        %mul3A_566 = vector.broadcast %mul3A_565 : i32 to vector<16xi32>
        %mul3A_567 = arith.muli %gather3A_408, %mul3A_566 : vector<16xi32>
        %add3A_568 = arith.constant 112 : i32
        %add3A_569 = vector.broadcast %add3A_568 : i32 to vector<16xi32>
        %add3A_570 = arith.addi %mul3A_567, %add3A_569 : vector<16xi32>
        %add3A_571 = arith.addi %add3A_570, %iota3A : vector<16xi32>
        %reduce_min3A_572 = arith.constant true
        %reduce_min3A_573 = vector.broadcast %reduce_min3A_572 : i1 to vector<16xi1>
        %reduce_min3A_574 = tpu.scan <min>, %get3A_564 masked %reduce_min3A_573 : vector<16xf32>, vector<16xi1> -> vector<16xf32>
        %reduce_min3A_575 = vector.extract %reduce_min3A_574[15] : f32 from vector<16xf32>
        %le3A_576 = arith.cmpf ole, %reduce_min3A_575, %cond3A_558#2 : f32
        %convert_element_type3A_577 = arith.extui %le3A_576 : i1 to i32
        %cond3A_578 = arith.constant 0 : i32
        %cond3A_579 = arith.cmpi ne, %convert_element_type3A_577, %cond3A_578 : i32
        %cond3A_580:3 = scf.if %cond3A_579 -> (vector<16xf32>, vector<16xi32>, f32) {
          %masked_sort3A = arith.constant dense<true> : vector<16xi1>
          %masked_sort3A_581, %masked_sort3A_582, %masked_sort3A_583 = tpu.sort %get3A_564, %add3A_571 masked %masked_sort3A : (vector<16xf32>, vector<16xi32>, vector<16xi1>) -> (vector<16xi1>, vector<16xf32>, vector<16xi32>)
          %rev3A = arith.constant 15 : i32
          %rev3A_584 = vector.broadcast %rev3A : i32 to vector<16xi32>
          %rev3A_585 = tpu.iota {dimensions = array<i32: 0>} : vector<16xi32>
          %rev3A_586 = arith.subi %rev3A_584, %rev3A_585 : vector<16xi32>
          %rev3A_587 = tpu.dynamic_gather %masked_sort3A_582[%rev3A_586] in [0] : vector<16xf32>, vector<16xi32> -> vector<16xf32>
          %rev3A_588 = arith.constant 15 : i32
          %rev3A_589 = vector.broadcast %rev3A_588 : i32 to vector<16xi32>
          %rev3A_590 = tpu.iota {dimensions = array<i32: 0>} : vector<16xi32>
          %rev3A_591 = arith.subi %rev3A_589, %rev3A_590 : vector<16xi32>
          %rev3A_592 = tpu.dynamic_gather %masked_sort3A_583[%rev3A_591] in [0] : vector<16xi32>, vector<16xi32> -> vector<16xi32>
          %lt3A_593 = arith.cmpf olt, %cond3A_558#0, %rev3A_587 : vector<16xf32>
          %eq3A_594 = arith.cmpf oeq, %cond3A_558#0, %rev3A_587 : vector<16xf32>
          %lt3A_595 = arith.cmpi slt, %cond3A_558#1, %rev3A_592 : vector<16xi32>
          %and3A = arith.andi %eq3A_594, %lt3A_595 : vector<16xi1>
          %or3A = arith.ori %lt3A_593, %and3A : vector<16xi1>
          %select_n3A_596 = arith.select %or3A, %cond3A_558#0, %rev3A_587 : vector<16xi1>, vector<16xf32>
          %select_n3A_597 = arith.select %or3A, %cond3A_558#1, %rev3A_592 : vector<16xi1>, vector<16xi32>
          %masked_sort3A_598 = arith.constant dense<true> : vector<16xi1>
          %masked_sort3A_599, %masked_sort3A_600, %masked_sort3A_601 = tpu.sort %select_n3A_596, %select_n3A_597 masked %masked_sort3A_598 : (vector<16xf32>, vector<16xi32>, vector<16xi1>) -> (vector<16xi1>, vector<16xf32>, vector<16xi32>)
          %reduce_max3A = arith.constant true
          %reduce_max3A_602 = vector.broadcast %reduce_max3A : i1 to vector<16xi1>
          %reduce_max3A_603 = tpu.scan <max>, %masked_sort3A_600 masked %reduce_max3A_602 : vector<16xf32>, vector<16xi1> -> vector<16xf32>
          %reduce_max3A_604 = vector.extract %reduce_max3A_603[15] : f32 from vector<16xf32>
          scf.yield %masked_sort3A_600, %masked_sort3A_601, %reduce_max3A_604 : vector<16xf32>, vector<16xi32>, f32
        } else {
          scf.yield %cond3A_558#0, %cond3A_558#1, %cond3A_558#2 : vector<16xf32>, vector<16xi32>, f32
        }
        scf.yield %cond3A_580#0, %cond3A_580#1, %cond3A_580#2 : vector<16xf32>, vector<16xi32>, f32
      }
      %scan3A_367 = arith.constant 16 : i32
      %gather3A = tpu.vector_load_idx %arg10[%scan3A_366#1] : memref<100096xf32, #tpu.memory_space<vmem>>[vector<16xi32>], vector<16xf32>,
      %gt3A = arith.constant 0.000000e+00 : f32
      %gt3A_368 = vector.broadcast %gt3A : f32 to vector<16xf32>
      %gt3A_369 = arith.cmpf ogt, %gather3A, %gt3A_368 : vector<16xf32>
      %jit3A = arith.constant 1.000000e+00 : f32
      %jit3A_370 = arith.constant -1.000000e+00 : f32
      %broadcast_in_dim3A_371 = vector.broadcast %jit3A : f32 to vector<16xf32>
      %broadcast_in_dim3A_372 = vector.broadcast %jit3A_370 : f32 to vector<16xf32>
      %select_n3A = arith.select %gt3A_369, %broadcast_in_dim3A_371, %broadcast_in_dim3A_372 : vector<16xi1>, vector<16xf32>
      %reduce_sum3A = arith.constant true
      %reduce_sum3A_373 = vector.broadcast %reduce_sum3A : i1 to vector<16xi1>
      %reduce_sum3A_374 = tpu.scan <sum>, %select_n3A masked %reduce_sum3A_373 : vector<16xf32>, vector<16xi1> -> vector<16xf32>
      %reduce_sum3A_375 = vector.extract %reduce_sum3A_374[15] : f32 from vector<16xf32>
      %sign3A = arith.bitcast %reduce_sum3A_375 : f32 to i32
      %sign3A_376 = arith.constant -2147483648 : i32
      %sign3A_377 = arith.andi %sign3A, %sign3A_376 : i32
      %sign3A_378 = arith.constant 1065353216 : i32
      %sign3A_379 = arith.ori %sign3A_378, %sign3A_377 : i32
      %sign3A_380 = arith.bitcast %sign3A_379 : i32 to f32
      %sign3A_381 = math.absf %reduce_sum3A_375 : f32
      %sign3A_382 = arith.constant 0.000000e+00 : f32
      %sign3A_383 = arith.cmpf ogt, %sign3A_381, %sign3A_382 : f32
      %sign3A_384 = arith.select %sign3A_383, %sign3A_380, %reduce_sum3A_375 : f32
      %mul3A_385 = arith.constant 2.000000e+00 : f32
      %mul3A_386 = arith.mulf %sign3A_384, %mul3A_385 : f32
      %mul3A_387 = arith.mulf %mul3A_386, %squeeze3A_360 : f32
      %eq3A = vector.broadcast %scan3A_16 : i32 to vector<16xi32>
      %eq3A_388 = arith.cmpi eq, %iota3A, %eq3A : vector<16xi32>
      %broadcast_in_dim3A_389 = vector.broadcast %mul3A_387 : f32 to vector<16xf32>
      %select_n3A_390 = arith.select %eq3A_388, %broadcast_in_dim3A_389, %scan3A_17 : vector<16xi1>, vector<16xf32>
      %sub3A = arith.constant 16 : i32
      %sub3A_391 = arith.subi %scan3A_16, %sub3A : i32
      %eq3A_392 = vector.broadcast %sub3A_391 : i32 to vector<16xi32>
      %eq3A_393 = arith.cmpi eq, %iota3A, %eq3A_392 : vector<16xi32>
      %broadcast_in_dim3A_394 = vector.broadcast %mul3A_387 : f32 to vector<16xf32>
      %select_n3A_395 = arith.select %eq3A_393, %broadcast_in_dim3A_394, %scan3A_18 : vector<16xi1>, vector<16xf32>
      scf.yield %select_n3A_390, %select_n3A_395 : vector<16xf32>, vector<16xf32>
    }
    %scan3A_12 = arith.constant 32 : i32
    %swap3A = arith.constant 0 : index
    %swap3A_13 = tpu.vector_load %arg11[%swap3A] {strides = array<i32>} : memref<32xf32, #tpu.memory_space<vmem>>, vector<16xf32>,
    tpu.vector_store %arg11[%swap3A], %scan3A_11#0 {strides = array<i32>} : memref<32xf32, #tpu.memory_space<vmem>>, vector<16xf32>,
    %swap3A_14 = arith.constant 16 : index
    %swap3A_15 = tpu.vector_load %arg11[%swap3A_14] {strides = array<i32>} : memref<32xf32, #tpu.memory_space<vmem>>, vector<16xf32>,
    tpu.vector_store %arg11[%swap3A_14], %scan3A_11#1 {strides = array<i32>} : memref<32xf32, #tpu.memory_space<vmem>>, vector<16xf32>,
    "tpu.region"() ({
      %run_scoped3A = tpu.sem_alloc : memref<!tpu.dma_semaphore, #tpu.memory_space<semaphore_mem>>
      %dma_start3A = tpu.memref_slice %arg6[%mul3A_2] : memref<1024xf32, #tpu.memory_space<hbm>> -> memref<32xf32, #tpu.memory_space<hbm>>
      %dma_start3A_16 = tpu.memref_slice %arg6[%mul3A_2] : memref<1024xf32, #tpu.memory_space<hbm>> -> memref<32xf32, #tpu.memory_space<hbm>>
      tpu.enqueue_dma source(%arg11 : memref<32xf32, #tpu.memory_space<vmem>>) target(%dma_start3A_16 : memref<32xf32, #tpu.memory_space<hbm>>) target_semaphore(%run_scoped3A : memref<!tpu.dma_semaphore, #tpu.memory_space<semaphore_mem>>)
      %dma_wait3A = tpu.memref_slice %arg6[%mul3A_2] : memref<1024xf32, #tpu.memory_space<hbm>> -> memref<32xf32, #tpu.memory_space<hbm>>
      %dma_wait3A_17 = tpu.memref_slice %arg6[%mul3A_2] : memref<1024xf32, #tpu.memory_space<hbm>> -> memref<32xf32, #tpu.memory_space<hbm>>
      tpu.wait_dma2 semaphore(%run_scoped3A : memref<!tpu.dma_semaphore, #tpu.memory_space<semaphore_mem>>) src(%arg11 : memref<32xf32, #tpu.memory_space<vmem>>) dst(%dma_wait3A_17 : memref<32xf32, #tpu.memory_space<hbm>>)
      tpu.yield
    }) : () -> ()
    return
  }
}

module attributes {stable_mosaic.version = 14 : i64} {
  func.func @_tc_body(%arg0: i32, %arg1: memref<16x512xf32, #tpu.memory_space<vmem>>, %arg2: memref<10x100096xf32, #tpu.memory_space<vmem>>, %arg3: memref<1x100096xf32, #tpu.memory_space<vmem>>, %arg4: memref<512x10xf32, #tpu.memory_space<vmem>>, %arg5: memref<1x10xf32, #tpu.memory_space<vmem>>, %arg6: memref<16x16xf32, #tpu.memory_space<vmem>>, %arg7: memref<16x896xf32, #tpu.memory_space<vmem>>, %arg8: memref<16x100096xf32, #tpu.memory_space<vmem>>) attributes {dimension_semantics = [#tpu.dimension_semantics<arbitrary>], iteration_bounds = array<i64: 64>, scalar_prefetch = 0 : i64, scratch_operands = 0 : i64, tpu.core_type = #tpu.core_type<tc>, window_params = [{transform_indices = @transform_0, window_bounds = array<i64: 16, 512>}, {pipeline_mode = #tpu.pipeline_mode<synchronous>, transform_indices = @transform_1, window_bounds = array<i64: 10, 100096>}, {pipeline_mode = #tpu.pipeline_mode<synchronous>, transform_indices = @transform_2, window_bounds = array<i64: 1, 100096>}, {pipeline_mode = #tpu.pipeline_mode<synchronous>, transform_indices = @transform_3, window_bounds = array<i64: 512, 10>}, {pipeline_mode = #tpu.pipeline_mode<synchronous>, transform_indices = @transform_4, window_bounds = array<i64: 1, 10>}, {transform_indices = @transform_5, window_bounds = array<i64: 16, 16>}, {transform_indices = @transform_6, window_bounds = array<i64: 16, 896>}, {transform_indices = @transform_7, window_bounds = array<i64: 16, 100096>}]} {
    %get3A = arith.constant 0 : index
    %get3A_0 = arith.constant 0 : index
    %get3A_1 = vector.load %arg1[%get3A, %get3A_0] : memref<16x512xf32, #tpu.memory_space<vmem>>, vector<16x512xf32>
    %get3A_2 = arith.constant 0 : index
    %get3A_3 = arith.constant 0 : index
    %get3A_4 = vector.load %arg4[%get3A_2, %get3A_3] : memref<512x10xf32, #tpu.memory_space<vmem>>, vector<512x10xf32>
    %dot_general3A = arith.constant dense<0.000000e+00> : vector<16x10xf32>
    %dot_general3A_5 = tpu.matmul %get3A_1, %get3A_4, %dot_general3A {dimension_numbers = #tpu.dot_dimension_numbers<[1], [0], [0], [1], [0, 0, 1, 1], [], []>, transpose_lhs_hint = false} : vector<16x512xf32>, vector<512x10xf32>, vector<16x10xf32> -> vector<16x10xf32>
    %get3A_6 = arith.constant 0 : index
    %get3A_7 = arith.constant 0 : index
    %get3A_8 = vector.load %arg5[%get3A_6, %get3A_7] : memref<1x10xf32, #tpu.memory_space<vmem>>, vector<1x10xf32>
    %add3A = vector.broadcast %get3A_8 : vector<1x10xf32> to vector<16x10xf32>
    %add3A_9 = arith.addf %dot_general3A_5, %add3A : vector<16x10xf32>
    %mul3A = arith.mulf %add3A_9, %add3A_9 : vector<16x10xf32>
    %reduce_sum3A = arith.constant dense<0.000000e+00> : vector<16xf32>
    %reduce_sum3A_10 = vector.multi_reduction <add>, %mul3A, %reduce_sum3A [1] : vector<16x10xf32> to vector<16xf32>
    %broadcast_in_dim3A = vector.shape_cast %reduce_sum3A_10 : vector<16xf32> to vector<16x1xf32>
    %get3A_11 = arith.constant 0 : index
    %get3A_12 = arith.constant 0 : index
    %get3A_13 = vector.load %arg2[%get3A_11, %get3A_12] : memref<10x100096xf32, #tpu.memory_space<vmem>>, vector<10x100096xf32>
    %dot_general3A_14 = arith.constant dense<0.000000e+00> : vector<16x100096xf32>
    %dot_general3A_15 = tpu.matmul %add3A_9, %get3A_13, %dot_general3A_14 {dimension_numbers = #tpu.dot_dimension_numbers<[1], [0], [0], [1], [0, 0, 1, 1], [], []>, transpose_lhs_hint = false} : vector<16x10xf32>, vector<10x100096xf32>, vector<16x100096xf32> -> vector<16x100096xf32>
    %mul3A_16 = arith.constant 2.000000e+00 : f32
    %mul3A_17 = vector.broadcast %mul3A_16 : f32 to vector<16x100096xf32>
    %mul3A_18 = arith.mulf %mul3A_17, %dot_general3A_15 : vector<16x100096xf32>
    %sub3A = vector.broadcast %broadcast_in_dim3A : vector<16x1xf32> to vector<16x100096xf32>
    %sub3A_19 = arith.subf %sub3A, %mul3A_18 : vector<16x100096xf32>
    %get3A_20 = arith.constant 0 : index
    %get3A_21 = arith.constant 0 : index
    %get3A_22 = vector.load %arg3[%get3A_20, %get3A_21] : memref<1x100096xf32, #tpu.memory_space<vmem>>, vector<1x100096xf32>
    %add3A_23 = vector.broadcast %get3A_22 : vector<1x100096xf32> to vector<16x100096xf32>
    %add3A_24 = arith.addf %sub3A_19, %add3A_23 : vector<16x100096xf32>
    %swap3A = arith.constant 0 : index
    %swap3A_25 = arith.constant 0 : index
    %swap3A_26 = vector.load %arg8[%swap3A, %swap3A_25] : memref<16x100096xf32, #tpu.memory_space<vmem>>, vector<16x100096xf32>
    tpu.vector_store %arg8[%swap3A, %swap3A_25], %add3A_24 {strides = array<i32>} : memref<16x100096xf32, #tpu.memory_space<vmem>>, vector<16x100096xf32>,
    %reshape3A = vector.shape_cast %add3A_24 : vector<16x100096xf32> to vector<16x782x128xf32>
    %reduce_min3A = arith.constant dense<0x7F800000> : vector<16x782xf32>
    %reduce_min3A_27 = vector.multi_reduction <minimumf>, %reshape3A, %reduce_min3A [2] : vector<16x782x128xf32> to vector<16x782xf32>
    %broadcast_in_dim3A_28 = arith.constant 0x7F800000 : f32
    %broadcast_in_dim3A_29 = vector.broadcast %broadcast_in_dim3A_28 : f32 to vector<16x114xf32>
    %concatenate3A = tpu.concatenate %reduce_min3A_27, %broadcast_in_dim3A_29 in 1 : vector<16x782xf32>, vector<16x114xf32> -> vector<16x896xf32>
    %swap3A_30 = arith.constant 0 : index
    %swap3A_31 = arith.constant 0 : index
    %swap3A_32 = vector.load %arg7[%swap3A_30, %swap3A_31] : memref<16x896xf32, #tpu.memory_space<vmem>>, vector<16x896xf32>
    tpu.vector_store %arg7[%swap3A_30, %swap3A_31], %concatenate3A {strides = array<i32>} : memref<16x896xf32, #tpu.memory_space<vmem>>, vector<16x896xf32>,
    %abs3A = math.absf %add3A_9 : vector<16x10xf32>
    %reduce_max3A = arith.constant dense<0xFF800000> : vector<16xf32>
    %reduce_max3A_33 = vector.multi_reduction <maximumf>, %abs3A, %reduce_max3A [1] : vector<16x10xf32> to vector<16xf32>
    %broadcast_in_dim3A_34 = vector.shape_cast %reduce_max3A_33 : vector<16xf32> to vector<16x1xf32>
    %broadcast_in_dim3A_35 = arith.constant 0.000000e+00 : f32
    %broadcast_in_dim3A_36 = vector.broadcast %broadcast_in_dim3A_35 : f32 to vector<16x5xf32>
    %concatenate3A_37 = tpu.concatenate %add3A_9, %broadcast_in_dim3A_34, %broadcast_in_dim3A_36 in 1 : vector<16x10xf32>, vector<16x1xf32>, vector<16x5xf32> -> vector<16x16xf32>
    %swap3A_38 = arith.constant 0 : index
    %swap3A_39 = arith.constant 0 : index
    %swap3A_40 = vector.load %arg6[%swap3A_38, %swap3A_39] : memref<16x16xf32, #tpu.memory_space<vmem>>, vector<16x16xf32>
    tpu.vector_store %arg6[%swap3A_38, %swap3A_39], %concatenate3A_37 {strides = array<i32>} : memref<16x16xf32, #tpu.memory_space<vmem>>, vector<16x16xf32>,
    return
  }
  func.func @transform_0(%arg0: i32) -> (i32, i32) {
    %c0_i32 = arith.constant 0 : i32
    %c0_i32_0 = arith.constant 0 : i32
    return %arg0, %c0_i32 : i32, i32
  }
  func.func @transform_1(%arg0: i32) -> (i32, i32) {
    %c0_i32 = arith.constant 0 : i32
    %c0_i32_0 = arith.constant 0 : i32
    %c0_i32_1 = arith.constant 0 : i32
    return %c0_i32, %c0_i32_0 : i32, i32
  }
  func.func @transform_2(%arg0: i32) -> (i32, i32) {
    %c0_i32 = arith.constant 0 : i32
    %c0_i32_0 = arith.constant 0 : i32
    %c0_i32_1 = arith.constant 0 : i32
    return %c0_i32, %c0_i32_0 : i32, i32
  }
  func.func @transform_3(%arg0: i32) -> (i32, i32) {
    %c0_i32 = arith.constant 0 : i32
    %c0_i32_0 = arith.constant 0 : i32
    %c0_i32_1 = arith.constant 0 : i32
    return %c0_i32, %c0_i32_0 : i32, i32
  }
  func.func @transform_4(%arg0: i32) -> (i32, i32) {
    %c0_i32 = arith.constant 0 : i32
    %c0_i32_0 = arith.constant 0 : i32
    %c0_i32_1 = arith.constant 0 : i32
    return %c0_i32, %c0_i32_0 : i32, i32
  }
  func.func @transform_5(%arg0: i32) -> (i32, i32) {
    %c0_i32 = arith.constant 0 : i32
    %c0_i32_0 = arith.constant 0 : i32
    return %arg0, %c0_i32 : i32, i32
  }
  func.func @transform_6(%arg0: i32) -> (i32, i32) {
    %c0_i32 = arith.constant 0 : i32
    %c0_i32_0 = arith.constant 0 : i32
    return %arg0, %c0_i32 : i32, i32
  }
  func.func @transform_7(%arg0: i32) -> (i32, i32) {
    %c0_i32 = arith.constant 0 : i32
    %c0_i32_0 = arith.constant 0 : i32
    return %arg0, %c0_i32 : i32, i32
  }
}

</mosaic_0001>

<sc_bundles>
// kernel: kernel.4.cloned.1.call-start
scs
__scs_entry_jumppad:
0x0: {  	(pc) =	sbr.rel $0x88, $3  }
0x1: {  	(tag) =	ssettag $0x0;
	lr =	simm.s32 $0x1  }
0x2: {  	[smem:$0x3F9C] =	sst lr;
	_ =	strace $0xD0000000  }
0x3: {  	_ = 	snop  }
0x4: {  	_ = 	snop  }
0x5: {  	_ = 	snop  }
0x6: {  	_ = 	snop  }
0x7: {  	_ = 	snop  }
__scs_overlays_trampoline_lowered:
0x8: {  	[smem:$0x3FAB] =	sst s0  }
0x9: {  	[smem:$0x3FAC] =	sst s1  }
0xa: {  	[smem:$0x3FAD] =	sst s2  }
0xb: {  	[smem:$0x3FAE] =	sst s3  }
0xc: {  	[smem:$0x3FAF] =	sst s4  }
0xd: {  	[smem:$0x3FB0] =	sst s5  }
0xe: {  	[smem:$0x3FB1] =	sst s6  }
0xf: {  	[smem:$0x3FB2] =	sst s7  }
0x10: {  	[smem:$0x3FB3] =	sst s8  }
0x11: {  	[smem:$0x3FB4] =	sst s9;
	s0 =	simm.s32 @!p0 $0x0  }
0x12: {  	s1 =	sld [smem:$0x3F9A];
	s0 =	simm.s32 @p0 $0x1  }
0x13: {  	[smem:$0x3FB5] =	sst s0;
	s0 =	simm.s32 @!p1 $0x0  }
0x14: {  	s2 =	sld [smem:$0x3F99];
	s0 =	simm.s32 @p1 $0x1  }
0x15: {  	[smem:$0x3FB6] =	sst s0;
	s0 =	simm.s32 @!p2 $0x0  }
0x16: {  	s3 =	sld [smem:$0x3FDB];
	s0 =	simm.s32 @p2 $0x1  }
0x17: {  	s4 =	simm.s32 $0x1BF5;
	[smem:$0x3FB8] =	sst s0  }
0x18: {  	s0 =	sld [smem:$0x3F9B];
	_ =	swait.ge [sflag:s4], $0x0  }
0x19: {  	s7 =	sld [smem:$0x3F9C]  }
0x1a: {  	s8 =	sadd.s32 $0xFFFFE003, lr  }
0x1b: {  	s9 =	sadd.s32 $0xFFFFFEF7, lr;
	s5 =	simm.s32 $0xFFFFFFFF;
	p2 =	slt.u32 s8, $0xFFFFF086  }
0x1c: {  	p1 =	slt.u32 s9, $0xF7A;
	s5 =	simm.s32 @!p2 $0x0  }
0x1d: {  	s5 =	simm.s32 @p1 $0x1;
	p0 =	seq.s32 s7, s2  }
0x1e: {  	s7 =	smul.u32 @!p0 $0xF7A, s2;
	p2 =	seq.s32 @!p0 s5, $0x0  }
0x1f: {  	s9 =	smul.u32 $0xF7A, s1;
	s8 =	simm.s32 @!p0 $0x1BF5;
	p2 =	por !p2, p0  }
0x20: {  	[sflag:s8] =	ssyncset.s32 @!p0 $0xFFFFF086;
	s6 =	sadd.s32 @!p0 s3, s7;
	s7 =	simm.s32 @!p0 $0x108  }
0x21: {  	s3 =	sadd.s32 s3, s9;
	s6 =	sadd.s32 @!p0 $0x88, s6;
	s7 =	simm.s32 @p2 $0x1082  }
0x22: {  	[simem:s7], [sflag:s8] =	dma.local @!p0 [hbm:s6], $0xF7A  }
0x23: {  	s9 =	sor.u32 $0xD0000000, s2;
	s6 =	simm.s32 $0x108;
	_ =	swait.ge @!p0 [sflag:s8], $0x0  }
0x24: {  	s3 =	sadd.s32 $0x88, s3;
	s6 =	simm.s32 @!p1 $0x1082;
	[sflag:s4] =	ssyncset.s32 $0xFFFFF086  }
0x25: {  	[simem:s6], [sflag:s4] =	dma.local [hbm:s3], $0xF7A  }
0x26: {  	[smem:$0x3F9C] =	sst s1;
	(tag) =	ssettag s2;
	_ =	strace s9  }
0x27: {  	s1 =	sld [smem:$0x3FAC]  }
0x28: {  	s2 =	sld [smem:$0x3FAD]  }
0x29: {  	s4 =	sld [smem:$0x3FAF]  }
0x2a: {  	p0 =	seq.s32 s5, $0x0;
	s5 =	sld [smem:$0x3FB0]  }
0x2b: {  	s6 =	sld [smem:$0x3FB1]  }
0x2c: {  	s7 =	sld [smem:$0x3FB2]  }
0x2d: {  	s3 =	simm.s32 $0x108;
	s8 =	sld [smem:$0x3FB3]  }
0x2e: {  	s3 =	simm.s32 @!p0 $0x1082;
	s9 =	sld [smem:$0x3FB4]  }
0x2f: {  	lr =	sadd.s32 s0, s3;
	s0 =	sld [smem:$0x3FAB]  }
0x30: {  	s3 =	sld [smem:$0x3FAE]  }
0x31: {  	[smem:$0x3FB7] =	sst s10  }
0x32: {  	s10 =	sld [smem:$0x3FB5];
	_ =	sdelay $0x3  }
0x33: {  	p0 =	seq.s32 s10, $0x1;
	s10 =	sld [smem:$0x3FB7];
	_ =	sdelay $0x3  }
0x34: {  	[smem:$0x3FB7] =	sst s10  }
0x35: {  	s10 =	sld [smem:$0x3FB6];
	_ =	sdelay $0x3  }
0x36: {  	p1 =	seq.s32 s10, $0x1;
	s10 =	sld [smem:$0x3FB7];
	_ =	sdelay $0x3  }
0x37: {  	[smem:$0x3FB7] =	sst s10  }
0x38: {  	s10 =	sld [smem:$0x3FB8]  }
0x39: {  	_ = 	snop;
	(pc) =	sbr.ind lr, $3  }
0x3a: {  	_ = 	snop  }
0x3b: {  	_ = 	snop  }
0x3c: {  	p2 =	seq.s32 s10, $0x1;
	s10 =	sld [smem:$0x3FB7]  }
0x3d: {  	_ =	shalt  }
0x3e: {  	_ =	shalt  }
0x3f: {  	_ =	shalt  }
0x40: {  	_ =	shalt  }
0x41: {  	_ =	shalt  }
0x42: {  	_ =	shalt  }
0x43: {  	_ =	shalt  }
0x44: {  	_ =	shalt  }
0x45: {  	_ =	shalt  }
0x46: {  	_ =	shalt  }
0x47: {  	_ =	shalt  }
0x48: {  	_ =	shalt  }
0x49: {  	_ =	shalt  }
0x4a: {  	_ =	shalt  }
0x4b: {  	_ =	shalt  }
0x4c: {  	_ =	shalt  }
0x4d: {  	_ =	shalt  }
0x4e: {  	_ =	shalt  }
0x4f: {  	_ =	shalt  }
0x50: {  	_ =	shalt  }
0x51: {  	_ =	shalt  }
0x52: {  	_ =	shalt  }
0x53: {  	_ =	shalt  }
0x54: {  	_ =	shalt  }
0x55: {  	_ =	shalt  }
0x56: {  	_ =	shalt  }
0x57: {  	_ =	shalt  }
0x58: {  	_ =	shalt  }
0x59: {  	_ =	shalt  }
0x5a: {  	_ =	shalt  }
0x5b: {  	_ =	shalt  }
0x5c: {  	_ =	shalt  }
0x5d: {  	_ =	shalt  }
0x5e: {  	_ =	shalt  }
0x5f: {  	_ =	shalt  }
0x60: {  	_ =	shalt  }
0x61: {  	_ =	shalt  }
0x62: {  	_ =	shalt  }
0x63: {  	_ =	shalt  }
0x64: {  	_ =	shalt  }
0x65: {  	_ =	shalt  }
0x66: {  	_ =	shalt  }
0x67: {  	_ =	shalt  }
0x68: {  	_ =	shalt  }
0x69: {  	_ =	shalt  }
0x6a: {  	_ =	shalt  }
0x6b: {  	_ =	shalt  }
0x6c: {  	_ =	shalt  }
0x6d: {  	_ =	shalt  }
0x6e: {  	_ =	shalt  }
0x6f: {  	_ =	shalt  }
0x70: {  	_ =	shalt  }
0x71: {  	_ =	shalt  }
0x72: {  	_ =	shalt  }
0x73: {  	_ =	shalt  }
0x74: {  	_ =	shalt  }
0x75: {  	_ =	shalt  }
0x76: {  	_ =	shalt  }
0x77: {  	_ =	shalt  }
0x78: {  	_ =	shalt  }
0x79: {  	_ =	shalt  }
0x7a: {  	_ =	shalt  }
0x7b: {  	_ =	shalt  }
0x7c: {  	_ =	shalt  }
0x7d: {  	_ =	shalt  }
0x7e: {  	_ =	shalt  }
0x7f: {  	_ =	shalt  }
0x80: {  	_ =	shalt  }
0x81: {  	_ =	shalt  }
0x82: {  	_ =	shalt  }
0x83: {  	_ =	shalt  }
0x84: {  	_ =	shalt  }
0x85: {  	_ =	shalt  }
0x86: {  	_ =	shalt  }
0x87: {  	_ =	shalt  }
.Lfunc_end0:
.L_simem_size_0:
called_computation_lowered:
.L_overlay_start_0:
0x88: {  	s2 =	sld [smem:$0x3FD9]  }
0x89: {  	s3 =	sld [smem:$0x3FFE];
	_ =	sdelay $0x1  }
0x8a: {  	s1 =	srdreg.scid  }
0x8b: {  	s0 =	sand.u32 $0x1, s1  }
0x8c: {  	s16 =	sshll.u32 s0, $0xA;
	s2 =	sadd.s32 s3, s2  }
0x8d: {  	s2 =	sadd.s32 s2, s16  }
0x8e: {  	[smem:$0x3FC3] =	sst s2  }
0x8f: {  	_ = 	snop  }
0x90: {  	(tm) =	ssettm $0x1  }
0x91: {  	s17 =	sld [smem:$0x3FFB];
	_ =	sdelay $0x3  }
0x92: {  	_ =	strace s17  }
0x93: {  	s2 =	sld [smem:$0x3FFC];
	_ =	sdelay $0x3  }
0x94: {  	_ =	strace s2  }
0x95: {  	s2 =	sld [smem:$0x3FFD];
	_ =	sdelay $0x3  }
0x96: {  	_ =	strace s2  }
0x97: {  	_ =	strace $0x8FFFFFFF  }
0x98: {  	s18 =	sld [smem:$0x3FDB];
	_ =	sdelay $0x1  }
0x99: {  	s19 =	simm.s32 $_scs_section_size  }
0x9a: {  	s4 =	simm.s32 $_size__tile_overlayer_lowered;
	s5 =	simm.s32 $_tile_overlayer_lowered  }
0x9b: {  	s22 =	simm.s32 $0x1BFF;
	s21 =	sshll.u32 s5, $0x1;
	s2 =	sadd.s32 s19, s18  }
0x9c: {  	s6 =	simm.s32 $0x0;
	s20 =	sshll.u32 s4, $0x1;
	s4 =	sadd.s32 s21, s2  }
0x9d: {  	[timem:s6], [sflag:s22] =	dma.local [hbm:s4], s20  }
0x9e: {  	_ =	swait.ge [sflag:s22], s20  }
0x9f: {  	s3 =	ssub.s32 $0x0, s20;
	[sflag:s22] =	ssyncset.done $0x0  }
0xa0: {  	[sflag:s22] =	ssyncadd.s32 s3;
	_ =	sdelay $0x1  }
0xa1: {  	s23 =	simm.s32 $0x1B8B  }
0xa2: {  	_ =	swait.ge [sflag:s23], $0x1  }
0xa3: {  	[sflag:s23] =	ssyncset.done $0x0  }
0xa4: {  	s25 =	simm.s32 $0x1B8E;
	s24 =	sld [smem:$0x3FFE];
	[sflag:s23] =	ssyncadd.s32 $0xFFFFFFFF  }
0xa5: {  	s26 =	simm.s32 $execute0_lowered;
	[smem:$0x3FD2] =	sst s25  }
0xa6: {  	s4 =	sshll.u32 s26, $0x1;
	_ =	strace $0x80000046;
	[dreg:$0x1] =	wrdreg $0xFFFFFFFF  }
0xa7: {  	s28 =	simm.s32 $_size_execute0_lowered;
	s2 =	sadd.s32 s2, s4;
	[dreg:$0x0] =	wrdreg $0x0  }
0xa8: {  	s4 =	sshll.u32 s28, $0x1;
	[dreg:$0x2] =	wrdreg s2  }
0xa9: {  	[dreg:$0x3] =	wrdreg s4  }
0xaa: {  	[dreg:$0x4] =	wrdreg $0xC0  }
0xab: {  	_ =	task [dreg:s6], $0x5FFFF  }
0xac: {  	[dreg:$0x1] =	wrdreg $0xFFFFFFFF  }
0xad: {  	[dreg:$0x0] =	wrdreg $0x60  }
0xae: {  	[dreg:$0x2] =	wrdreg s24  }
0xaf: {  	[dreg:$0x3] =	wrdreg $0x9  }
0xb0: {  	_ =	task.clear_ibuf [dreg:s6], $0x4FFFF;
	_ =	strace $0x90000046  }
0xb1: {  	s29 =	simm.s32 $0x9;
	_ =	strace $0x80000048  }
0xb2: {  	_ =	swait.ge [sflag:s29], $0x1  }
0xb3: {  	[sflag:s29] =	ssyncadd.s32 $0xFFFFFFFF  }
0xb4: {  	_ =	strace $0x90000048  }
0xb5: {  	_ =	sfence  }
0xb6: {  	s30 =	sld [smem:$0x0];
	_ =	sdelay $0x2  }
0xb7: {  	s31 =	sshll.u32 s1, $0xD;
	s1 =	sshrl.u32 s1, $0x2  }
0xb8: {  	s3 =	sand.u32 $0x4000, s31;
	s1 =	sadd.s32 s1, s30  }
0xb9: {  	s0 =	sor.u32 s3, s0;
	s1 =	sshll.u32 s1, $0x11  }
0xba: {  	s0 =	sor.u32 s1, s0  }
0xbb: {  	s0 =	sadd.s32 $0x8F2B, s0  }
0xbc: {  	[sflag:s0] =	ssyncadd.remote.s32 $0x1  }
0xbd: {  	_ =	sfence.sel $0xFFFF  }
0xbe: {  	[dreg:$0x0] =	wrdreg $0xFFFFFFFF;
	(pc) =	sbr.abs _section_cstart, $3  }
0xbf: {  	[dreg:$0x1] =	wrdreg $0xFFFFFFFF  }
0xc0: {  	_ =	task.clear_ibuf [dreg:s6], $0x2FFFF;
	_ =	strace $0x9FFFFFFF  }
0xc1: {  	(tm) =	ssettm $0x7FFFFFFF  }
tec
execute0_lowered:
.L_overlay_start_1:
0x0: {  	(tag) =	ssettag $0x1  }
0x1: {  	s0 =	rddreg [dreg:$0x0];
	s8 =	simm.s32 $0x0  }
0x2: {  	s1 =	srdreg.scid;
	s2 =	stileid.u32;
	s10 =	simm.s32 $0xC00  }
0x3: {  	s11 =	simm.s32 $0x2;
	s13 =	simm.s32 $0x400;
	s17 =	simm.s32 $0x580  }
0x4: {  	s18 =	simm.s32 $0x600;
	s19 =	simm.s32 $0x680;
	s20 =	simm.s32 $0x700  }
0x5: {  	s21 =	simm.s32 $0x780;
	s22 =	simm.s32 $0x800;
	s23 =	simm.s32 $0x880  }
0x6: {  	s24 =	simm.s32 $0x900;
	s26 =	simm.f32 $1.000000000e+00;
	s28 =	simm.s32 $0xA00  }
0x7: {  	s29 =	simm.s32 $0xA80;
	s30 =	simm.s32 $0xB00;
	s31 =	simm.s32 $0xB80  }
0x8: {  	[smem:$0x7FF] =	sst s8;
	s1 =	sand.u32 $0x1, s1;
	s3 =	sadd.s32 $0xC3C400, s0  }
0x9: {  	s2 =	sshll.u32 s2, $0x6;
	s4 =	sadd.s32 $0xC58400, s0;
	s6 =	sadd.s32 $0x4400, s0  }
0xa: {  	s9 =	sadd.s32 $0x1200, s0;
	s5 =	sshll.u32 s1, $0x5;
	s1 =	ssub.s32 $0x2, s1  }
0xb: {  	_ =	strace $0x80000047;
	s5 =	sor.u32 s5, s2;
	s7 =	sshrl.u32 s1, $0x1  }
0xc: {  	[dreg:$0x2] =	wrdreg s9;
	s2 =	sshrl.u32 s5, $0x3;
	s1 =	ssub.s32 s1, s7  }
0xd: {  	s0 =	sadd.s32 s2, s0;
	s25 =	smax.u32 s1, $0x1;
	s2 =	simm.s32 $0x0  }
0xe: {  	s0 =	sadd.s32 $0xC5C400, s0;
	[dreg:$0x4] =	wrdreg s25;
	s25 =	sand.u32 $0x7FFFFFFF, s26  }
0xf: {  	v0 =	vimm.f32 $-1.000000000e+00;
	v1 =	vlaneseq.u32;
	s26 =	simm.s32 $0x980;
	[dreg:$0x3] =	wrdreg s0;
	s0 =	simm.s32 $0x1  }
.LBB2_1:
0x10: {  	[dreg:$0x5] =	wrdreg s2  }
0x11: {  	s1 =	rddreg [dreg:$0x2]  }
0x12: {  	[tilespmem:s10], [sflag:$0x2] =	stream.linear.gather [hbm4b:s1+s8], $0x18700, $0x38;
	[tilespmem:$0x19380] =	vst v63  }
0x13: {  	_ =	swait.ge [sflag:s11], $0x18700  }
0x14: {  	[sflag:s11] =	ssyncset.done $0x0  }
0x15: {  	v2 =	vimm.f32 $0.0e+00;
	v3 =	vimm.f32 $0.0e+00;
	s2 =	simm.s32 $0x0;
	[sflag:s11] =	ssyncadd.s32 $0xFFFE7900  }
.LBB2_2:
0x16: {  	s1 =	sor.u32 s5, s2  }
0x17: {  	s7 =	sshrl.u32 s1, $0x3  }
0x18: {  	s15 =	sshll.u32 s2, $0x7;
	s9 =	smul.u32 $0x1C00, s7  }
0x19: {  	s8 =	sand.u32 $0x380, s15  }
0x1a: {  	s1 =	sor.u32 s8, s9  }
0x1b: {  	s12 =	simm.s32 $0x0;
	s1 =	sshrl.u32 s1, $0x3  }
0x1c: {  	s16 =	simm.s32 $0x80;
	s14 =	sshll.u32 s7, $0xA;
	s1 =	sadd.s32 s3, s1  }
0x1d: {  	[tilespmem:s12], [sflag:$0x2] =	stream.strided.gather [hbm4b:s1+s16], $0x380, s13, s16, $0x38;
	[tilespmem:$0x19380] =	vst v63  }
0x1e: {  	s1 =	sor.u32 s8, s14;
	_ =	swait.ge [sflag:s11], $0x380  }
0x1f: {  	s1 =	sshrl.u32 s1, $0x3;
	[sflag:s11] =	ssyncset.done $0x0  }
0x20: {  	s15 =	simm.s32 $0x380;
	s1 =	sadd.s32 s4, s1;
	[sflag:s11] =	ssyncadd.s32 $0xFFFFFC80  }
0x21: {  	[tilespmem:s15], [sflag:$0x2] =	stream.linear.gather [hbm4b:s1+s12], $0x80, $0x38;
	[tilespmem:$0x19380] =	vst v63  }
0x22: {  	_ =	swait.ge [sflag:s11], $0x80  }
0x23: {  	[sflag:s11] =	ssyncset.done $0x0  }
0x24: {  	[sflag:s11] =	ssyncadd.s32 $0xFFFFFF80  }
0x25: {  	v4 =	vld [tilespmem:s12+$0x0];
	_ =	sdelay $0x4  }
0x26: {  	(xrf0) =	vmin.scan.msk.f32 $0xffff, v4;
	_ =	sdelay $0x5  }
0x27: {  	v5, _, _ =	vpop (xrf0)  }
0x28: {  	(v2sf) =	vpush v5, $0xF;
	_ =	sdelay $0xe  }
0x29: {  	s9 =	simm.f32 $+Inf;
	s16 =	spop (v2sf)  }
0x2a: {  	p0 =	sle.f32 s16, s9;
	_ =	sdelay $0x1  }
0x2b: {  	v5 =	vlaneseq.u32 @p0  }
0x2c: {  	v6 =	vor.u32 @p0 s12, v5  }
0x2d: {  	(xrf1) =	vsort.ascd.msk.f32 @p0 $0xffff, v4, v6;
	_ =	sdelay $0xb  }
0x2e: {  	v4 =	vmul.u32 @p0 $0xFFFFFFFF, v5;
	_ =	sdelay $0x1  }
0x2f: {  	v4 =	vadd.s32 @p0 $0xF, v4;
	v5, v6, _ =	vpop @p0 (xrf1)  }
0x30: {  	v7 =	vperm.xlane @p0 v5, v4;
	v6 =	vperm.xlane @p0 v6, v4  }
0x31: {  	v5 =	vimm.f32 $+Inf;
	v4 =	vimm.s32 $0x20000000  }
0x32: {  	vm0 =	veq.f32 @p0 v5, v7;
	vm1 =	vlt.s32 @p0 v4, v6  }
0x33: {  	vm2 =	vlt.f32 @p0 v5, v7;
	vm0 =	vmand @p0 vm0, vm1  }
0x34: {  	vm0 =	vmor @p0 vm2, vm0  }
0x35: {  	v7 =	vsel @p0 vm0, v5, v7;
	v6 =	vsel @p0 vm0, v4, v6  }
0x36: {  	(xrf1) =	vsort.ascd.msk.f32 @p0 $0xffff, v7, v6;
	_ =	sdelay $0x9  }
0x37: {  	s1 =	simm.s32 $0x10;
	s12 =	simm.s32 $0x10  }
.LBB2_3:
0x38: {  	v6 =	vld [tilespmem:s1+$0x0];
	s14 =	smov.u32 s12;
	s12 =	sadd.s32 $0x10, s12  }
0x39: {  	p1 =	sne.s32 s12, $0x380;
	_ =	sdelay $0x1  }
0x3a: {  	v7, v8, _ =	vpop @p0 (xrf1)  }
0x3b: {  	v5 =	vpsel p0, v7, v5;
	v4 =	vpsel p0, v8, v4;
	(xrf0) =	vmax.scan.msk.f32 @p0 $0xffff, v7  }
0x3c: {  	(xrf0) =	vmin.scan.msk.f32 $0xffff, v6;
	_ =	sdelay $0x4  }
0x3d: {  	v7, _, _ =	vpop @p0 (xrf0)  }
0x3e: {  	v8, _, _ =	vpop (xrf0);
	(v2sf) =	vpush @p0 v7, $0xF  }
0x3f: {  	(v2sf) =	vpush v8, $0xF;
	_ =	sdelay $0xd  }
0x40: {  	s15 =	spop @p0 (v2sf)  }
0x41: {  	s16 =	spop (v2sf);
	s9 =	smov.u32 @p0 s15  }
0x42: {  	p0 =	sle.f32 s16, s9;
	_ =	sdelay $0x1  }
0x43: {  	v7 =	vlaneseq.u32 @p0  }
0x44: {  	v8 =	vor.u32 @p0 s14, v7  }
0x45: {  	(xrf1) =	vsort.ascd.msk.f32 @p0 $0xffff, v6, v8;
	_ =	sdelay $0xb  }
0x46: {  	v6 =	vmul.u32 @p0 $0xFFFFFFFF, v7;
	_ =	sdelay $0x1  }
0x47: {  	v6 =	vadd.s32 @p0 $0xF, v6;
	v7, v8, _ =	vpop @p0 (xrf1)  }
0x48: {  	v7 =	vperm.xlane @p0 v7, v6;
	v6 =	vperm.xlane @p0 v8, v6;
	_ =	sdelay $0x1  }
0x49: {  	vm0 =	veq.f32 @p0 v5, v7;
	vm1 =	vlt.s32 @p0 v4, v6  }
0x4a: {  	vm2 =	vlt.f32 @p0 v5, v7;
	vm0 =	vmand @p0 vm0, vm1  }
0x4b: {  	vm0 =	vmor @p0 vm2, vm0  }
0x4c: {  	v7 =	vsel @p0 vm0, v5, v7;
	v6 =	vsel @p0 vm0, v4, v6  }
0x4d: {  	(xrf1) =	vsort.ascd.msk.f32 @p0 $0xffff, v7, v6;
	_ =	sdelay $0x5  }
.Ltmp0:
0x4e: {  	(pc) =	sbr.rel @p1 .LBB2_3-.Ltmp0, $2  }
0x4f: {  	_ =	sdelay $0x2  }
0x50: {  	s1 =	sadd.s32 $0x10, s1  }
0x51: {  	_ =	sdelay $0x2  }
0x52: {  	v5, v6, _ =	vpop @p0 (xrf1)  }
0x53: {  	(xrf0) =	vmax.scan.msk.f32 @p0 $0xffff, v5;
	_ =	sdelay $0x5  }
0x54: {  	v5, _, _ =	vpop @p0 (xrf0)  }
0x55: {  	(v2sf) =	vpush @p0 v5, $0xF;
	_ =	sdelay $0x1  }
0x56: {  	s1 =	smul.u32 $0xC3800, s7;
	v4 =	vpsel p0, v6, v4  }
0x57: {  	v6 =	vshll.u32 v4, $0xA  }
0x58: {  	v5 =	vadd.s32 s1, v6  }
0x59: {  	(v2sf) =	vpush v5, $0x0;
	_ =	sdelay $0x2  }
0x5a: {  	(v2sf) =	vpush v5, $0x1;
	_ =	sdelay $0x5  }
0x5b: {  	(v2sf) =	vpush v5, $0x2  }
0x5c: {  	s1 =	spop @p0 (v2sf);
	(v2sf) =	vpush v5, $0x3;
	_ =	sdelay $0x4  }
0x5d: {  	s1 =	spop (v2sf);
	(v2sf) =	vpush v5, $0x4  }
0x5e: {  	s1 =	sor.u32 s8, s1  }
0x5f: {  	s1 =	sshrl.u32 s1, $0x3  }
0x60: {  	s7 =	simm.s32 $0x0;
	s16 =	spop (v2sf);
	(v2sf) =	vpush v5, $0x5;
	s1 =	sadd.s32 s6, s1  }
0x61: {  	[tilespmem:s13], [sflag:$0x1] =	stream.linear.gather [hbm4b:s1+s7], $0x80, $0x38;
	[tilespmem:$0x19380] =	vst v63  }
0x62: {  	s1 =	sor.u32 s8, s16  }
0x63: {  	s1 =	sshrl.u32 s1, $0x3  }
0x64: {  	s9 =	simm.s32 $0x480;
	s1 =	sadd.s32 s6, s1  }
0x65: {  	[tilespmem:s9], [sflag:$0x1] =	stream.linear.gather [hbm4b:s1+s7], $0x80, $0x38;
	[tilespmem:$0x19380] =	vst v63  }
0x66: {  	s9 =	spop (v2sf)  }
0x67: {  	s14 =	spop (v2sf);
	(v2sf) =	vpush v5, $0x6;
	_ =	sdelay $0x4  }
0x68: {  	s15 =	spop (v2sf);
	(v2sf) =	vpush v5, $0x7  }
0x69: {  	s1 =	sor.u32 s8, s9  }
0x6a: {  	s1 =	sshrl.u32 s1, $0x3  }
0x6b: {  	s12 =	simm.s32 $0x500;
	s1 =	sadd.s32 s6, s1;
	s16 =	spop (v2sf);
	(v2sf) =	vpush v5, $0x8  }
0x6c: {  	[tilespmem:s12], [sflag:$0x1] =	stream.linear.gather [hbm4b:s1+s7], $0x80, $0x38;
	[tilespmem:$0x19380] =	vst v63  }
0x6d: {  	s1 =	sor.u32 s8, s14  }
0x6e: {  	s1 =	sshrl.u32 s1, $0x3  }
0x6f: {  	s1 =	sadd.s32 s6, s1  }
0x70: {  	[tilespmem:s17], [sflag:$0x1] =	stream.linear.gather [hbm4b:s1+s7], $0x80, $0x38;
	[tilespmem:$0x19380] =	vst v63  }
0x71: {  	s1 =	sor.u32 s8, s15  }
0x72: {  	s1 =	sshrl.u32 s1, $0x3;
	s9 =	spop (v2sf);
	(v2sf) =	vpush v5, $0x9  }
0x73: {  	s1 =	sadd.s32 s6, s1  }
0x74: {  	[tilespmem:s18], [sflag:$0x1] =	stream.linear.gather [hbm4b:s1+s7], $0x80, $0x38;
	[tilespmem:$0x19380] =	vst v63  }
0x75: {  	s1 =	sor.u32 s8, s16  }
0x76: {  	s1 =	sshrl.u32 s1, $0x3  }
0x77: {  	s1 =	sadd.s32 s6, s1;
	s12 =	spop (v2sf);
	(v2sf) =	vpush v5, $0xA  }
0x78: {  	[tilespmem:s19], [sflag:$0x1] =	stream.linear.gather [hbm4b:s1+s7], $0x80, $0x38;
	[tilespmem:$0x19380] =	vst v63  }
0x79: {  	s1 =	sor.u32 s8, s9  }
0x7a: {  	s1 =	sshrl.u32 s1, $0x3;
	s14 =	spop (v2sf);
	(v2sf) =	vpush v5, $0xB  }
0x7b: {  	s1 =	sadd.s32 s6, s1  }
0x7c: {  	[tilespmem:s20], [sflag:$0x1] =	stream.linear.gather [hbm4b:s1+s7], $0x80, $0x38;
	[tilespmem:$0x19380] =	vst v63  }
0x7d: {  	s1 =	sor.u32 s8, s12  }
0x7e: {  	s1 =	sshrl.u32 s1, $0x3  }
0x7f: {  	s1 =	sadd.s32 s6, s1  }
0x80: {  	[tilespmem:s21], [sflag:$0x1] =	stream.linear.gather [hbm4b:s1+s7], $0x80, $0x38;
	[tilespmem:$0x19380] =	vst v63  }
0x81: {  	s15 =	spop (v2sf);
	(v2sf) =	vpush v5, $0xC  }
0x82: {  	s1 =	sor.u32 s8, s14  }
0x83: {  	s1 =	sshrl.u32 s1, $0x3  }
0x84: {  	s1 =	sadd.s32 s6, s1  }
0x85: {  	[tilespmem:s22], [sflag:$0x1] =	stream.linear.gather [hbm4b:s1+s7], $0x80, $0x38;
	[tilespmem:$0x19380] =	vst v63  }
0x86: {  	s16 =	spop (v2sf);
	(v2sf) =	vpush v5, $0xD  }
0x87: {  	s1 =	sor.u32 s8, s15  }
0x88: {  	s1 =	sshrl.u32 s1, $0x3  }
0x89: {  	s9 =	spop (v2sf);
	s1 =	sadd.s32 s6, s1  }
0x8a: {  	(v2sf) =	vpush v5, $0xE;
	[tilespmem:s23], [sflag:$0x1] =	stream.linear.gather [hbm4b:s1+s7], $0x80, $0x38;
	[tilespmem:$0x19380] =	vst v63  }
0x8b: {  	s1 =	sor.u32 s8, s16  }
0x8c: {  	s1 =	sshrl.u32 s1, $0x3  }
0x8d: {  	s1 =	sadd.s32 s6, s1  }
0x8e: {  	[tilespmem:s24], [sflag:$0x1] =	stream.linear.gather [hbm4b:s1+s7], $0x80, $0x38;
	[tilespmem:$0x19380] =	vst v63  }
0x8f: {  	s1 =	sor.u32 s8, s9  }
0x90: {  	s1 =	sshrl.u32 s1, $0x3;
	s12 =	spop (v2sf);
	(v2sf) =	vpush v5, $0xF  }
0x91: {  	s1 =	sadd.s32 s6, s1  }
0x92: {  	[tilespmem:s26], [sflag:$0x1] =	stream.linear.gather [hbm4b:s1+s7], $0x80, $0x38;
	[tilespmem:$0x19380] =	vst v63  }
0x93: {  	s1 =	sor.u32 s8, s12  }
0x94: {  	s1 =	sshrl.u32 s1, $0x3  }
0x95: {  	s14 =	spop (v2sf);
	s1 =	sadd.s32 s6, s1  }
0x96: {  	[tilespmem:s28], [sflag:$0x1] =	stream.linear.gather [hbm4b:s1+s7], $0x80, $0x38;
	[tilespmem:$0x19380] =	vst v63  }
0x97: {  	s1 =	sor.u32 s8, s14  }
0x98: {  	s1 =	sshrl.u32 s1, $0x3  }
0x99: {  	s15 =	spop (v2sf);
	s1 =	sadd.s32 s6, s1  }
0x9a: {  	[tilespmem:s29], [sflag:$0x1] =	stream.linear.gather [hbm4b:s1+s7], $0x80, $0x38;
	[tilespmem:$0x19380] =	vst v63  }
0x9b: {  	s1 =	sor.u32 s8, s15  }
0x9c: {  	s1 =	sshrl.u32 s1, $0x3  }
0x9d: {  	s1 =	sadd.s32 s6, s1  }
0x9e: {  	[tilespmem:s30], [sflag:$0x1] =	stream.linear.gather [hbm4b:s1+s7], $0x80, $0x38;
	[tilespmem:$0x19380] =	vst v63  }
0x9f: {  	s16 =	spop (v2sf)  }
0xa0: {  	s1 =	sor.u32 s8, s16  }
0xa1: {  	s1 =	sshrl.u32 s1, $0x3  }
0xa2: {  	s1 =	sadd.s32 s6, s1  }
0xa3: {  	[tilespmem:s31], [sflag:$0x1] =	stream.linear.gather [hbm4b:s1+s7], $0x80, $0x38;
	[tilespmem:$0x19380] =	vst v63  }
0xa4: {  	_ =	swait.ge [sflag:s0], $0x80  }
0xa5: {  	[sflag:s0] =	ssyncset.done $0x0  }
0xa6: {  	[sflag:s0] =	ssyncadd.s32 $0xFFFFFF80  }
0xa7: {  	_ =	swait.ge [sflag:s0], $0x80  }
0xa8: {  	[sflag:s0] =	ssyncset.done $0x0  }
0xa9: {  	[sflag:s0] =	ssyncadd.s32 $0xFFFFFF80  }
0xaa: {  	_ =	swait.ge [sflag:s0], $0x80  }
0xab: {  	[sflag:s0] =	ssyncset.done $0x0  }
0xac: {  	[sflag:s0] =	ssyncadd.s32 $0xFFFFFF80  }
0xad: {  	_ =	swait.ge [sflag:s0], $0x80  }
0xae: {  	[sflag:s0] =	ssyncset.done $0x0  }
0xaf: {  	[sflag:s0] =	ssyncadd.s32 $0xFFFFFF80  }
0xb0: {  	_ =	swait.ge [sflag:s0], $0x80  }
0xb1: {  	[sflag:s0] =	ssyncset.done $0x0  }
0xb2: {  	[sflag:s0] =	ssyncadd.s32 $0xFFFFFF80  }
0xb3: {  	_ =	swait.ge [sflag:s0], $0x80  }
0xb4: {  	[sflag:s0] =	ssyncset.done $0x0  }
0xb5: {  	[sflag:s0] =	ssyncadd.s32 $0xFFFFFF80  }
0xb6: {  	_ =	swait.ge [sflag:s0], $0x80  }
0xb7: {  	[sflag:s0] =	ssyncset.done $0x0  }
0xb8: {  	[sflag:s0] =	ssyncadd.s32 $0xFFFFFF80  }
0xb9: {  	_ =	swait.ge [sflag:s0], $0x80  }
0xba: {  	[sflag:s0] =	ssyncset.done $0x0  }
0xbb: {  	[sflag:s0] =	ssyncadd.s32 $0xFFFFFF80  }
0xbc: {  	_ =	swait.ge [sflag:s0], $0x80  }
0xbd: {  	[sflag:s0] =	ssyncset.done $0x0  }
0xbe: {  	[sflag:s0] =	ssyncadd.s32 $0xFFFFFF80  }
0xbf: {  	_ =	swait.ge [sflag:s0], $0x80  }
0xc0: {  	[sflag:s0] =	ssyncset.done $0x0  }
0xc1: {  	[sflag:s0] =	ssyncadd.s32 $0xFFFFFF80  }
0xc2: {  	_ =	swait.ge [sflag:s0], $0x80  }
0xc3: {  	[sflag:s0] =	ssyncset.done $0x0  }
0xc4: {  	[sflag:s0] =	ssyncadd.s32 $0xFFFFFF80  }
0xc5: {  	_ =	swait.ge [sflag:s0], $0x80  }
0xc6: {  	[sflag:s0] =	ssyncset.done $0x0  }
0xc7: {  	[sflag:s0] =	ssyncadd.s32 $0xFFFFFF80  }
0xc8: {  	_ =	swait.ge [sflag:s0], $0x80  }
0xc9: {  	[sflag:s0] =	ssyncset.done $0x0  }
0xca: {  	[sflag:s0] =	ssyncadd.s32 $0xFFFFFF80  }
0xcb: {  	_ =	swait.ge [sflag:s0], $0x80  }
0xcc: {  	[sflag:s0] =	ssyncset.done $0x0  }
0xcd: {  	[sflag:s0] =	ssyncadd.s32 $0xFFFFFF80  }
0xce: {  	_ =	swait.ge [sflag:s0], $0x80  }
0xcf: {  	[sflag:s0] =	ssyncset.done $0x0  }
0xd0: {  	[sflag:s0] =	ssyncadd.s32 $0xFFFFFF80  }
0xd1: {  	_ =	swait.ge [sflag:s0], $0x80  }
0xd2: {  	[sflag:s0] =	ssyncset.done $0x0  }
0xd3: {  	[sflag:s0] =	ssyncadd.s32 $0xFFFFFF80  }
0xd4: {  	v8 =	vimm.f32 $+Inf;
	v7 =	vimm.s32 $0x20000000;
	s9 =	simm.s32 $0x440;
	s8 =	simm.f32 $+Inf;
	v5 =	vld [tilespmem:$0x380]  }
.LBB2_5:
0xd5: {  	v9 =	vld [tilespmem:s9+$0xFFFFFFC0];
	_ =	sdelay $0x4  }
0xd6: {  	(xrf0) =	vmin.scan.msk.f32 $0xffff, v9;
	_ =	sdelay $0x5  }
0xd7: {  	v6, _, _ =	vpop (xrf0)  }
0xd8: {  	(v2sf) =	vpush v6, $0xF;
	_ =	sdelay $0xe  }
0xd9: {  	v6 =	vmov s7;
	s1 =	spop (v2sf)  }
0xda: {  	v6 =	vperm.xlane v4, v6;
	p1 =	sle.f32 s1, s8;
	_ =	sdelay $0x1  }
0xdb: {  	v6 =	vshll.u32 v6, $0x7;
	v10 =	vlaneseq.u32 @p1  }
0xdc: {  	v11 =	vor.u32 @p1 v10, v6  }
0xdd: {  	(xrf1) =	vsort.ascd.msk.f32 @p1 $0xffff, v9, v11;
	_ =	sdelay $0xb  }
0xde: {  	v9 =	vmul.u32 @p1 $0xFFFFFFFF, v10;
	_ =	sdelay $0x1  }
0xdf: {  	v9 =	vadd.s32 @p1 $0xF, v9;
	v10, v11, _ =	vpop @p1 (xrf1)  }
0xe0: {  	v10 =	vperm.xlane @p1 v10, v9;
	v9 =	vperm.xlane @p1 v11, v9;
	_ =	sdelay $0x1  }
0xe1: {  	vm0 =	veq.f32 @p1 v8, v10;
	vm1 =	vlt.s32 @p1 v7, v9  }
0xe2: {  	vm2 =	vlt.f32 @p1 v8, v10;
	vm0 =	vmand @p1 vm0, vm1  }
0xe3: {  	vm0 =	vmor @p1 vm2, vm0  }
0xe4: {  	v10 =	vsel @p1 vm0, v8, v10;
	v9 =	vsel @p1 vm0, v7, v9  }
0xe5: {  	(xrf1) =	vsort.ascd.msk.f32 @p1 $0xffff, v10, v9;
	_ =	sdelay $0xa  }
0xe6: {  	v9 =	vld [tilespmem:s9+$0xFFFFFFD0];
	_ =	sdelay $0x2  }
0xe7: {  	v10, v11, _ =	vpop @p1 (xrf1)  }
0xe8: {  	(xrf0) =	vmax.scan.msk.f32 @p1 $0xffff, v10  }
0xe9: {  	(xrf0) =	vmin.scan.msk.f32 $0xffff, v9;
	_ =	sdelay $0x4  }
0xea: {  	v12, _, _ =	vpop @p1 (xrf0)  }
0xeb: {  	(v2sf) =	vpush @p1 v12, $0xF;
	v57, _, _ =	vpop (xrf0)  }
0xec: {  	(v2sf) =	vpush v57, $0xF;
	_ =	sdelay $0xd  }
0xed: {  	s1 =	spop @p1 (v2sf)  }
0xee: {  	s8 =	smov.u32 @p1 s1;
	s14 =	spop (v2sf)  }
0xef: {  	p0 =	sle.f32 s14, s8;
	_ =	sdelay $0x1  }
0xf0: {  	v12 =	vlaneseq.u32 @p0  }
0xf1: {  	v13 =	vor.u32 @p0 $0x10, v12  }
0xf2: {  	v13 =	vor.u32 @p0 v13, v6  }
0xf3: {  	(xrf1) =	vsort.ascd.msk.f32 @p0 $0xffff, v9, v13;
	_ =	sdelay $0xb  }
0xf4: {  	v9 =	vmul.u32 @p0 $0xFFFFFFFF, v12;
	_ =	sdelay $0x1  }
0xf5: {  	v9 =	vadd.s32 @p0 $0xF, v9;
	v12, v13, _ =	vpop @p0 (xrf1)  }
0xf6: {  	v12 =	vperm.xlane @p0 v12, v9;
	v9 =	vperm.xlane @p0 v13, v9  }
0xf7: {  	v8 =	vpsel p1, v10, v8;
	v7 =	vpsel p1, v11, v7  }
0xf8: {  	vm0 =	veq.f32 @p0 v8, v12;
	vm1 =	vlt.s32 @p0 v7, v9  }
0xf9: {  	vm2 =	vlt.f32 @p0 v8, v12;
	vm0 =	vmand @p0 vm0, vm1  }
0xfa: {  	vm0 =	vmor @p0 vm2, vm0  }
0xfb: {  	v10 =	vsel @p0 vm0, v8, v12;
	v9 =	vsel @p0 vm0, v7, v9  }
0xfc: {  	(xrf1) =	vsort.ascd.msk.f32 @p0 $0xffff, v10, v9;
	_ =	sdelay $0xa  }
0xfd: {  	v9 =	vld [tilespmem:s9+$0xFFFFFFE0];
	_ =	sdelay $0x2  }
0xfe: {  	v10, v11, _ =	vpop @p0 (xrf1)  }
0xff: {  	(xrf0) =	vmax.scan.msk.f32 @p0 $0xffff, v10  }
0x100: {  	(xrf0) =	vmin.scan.msk.f32 $0xffff, v9;
	_ =	sdelay $0x4  }
0x101: {  	v12, _, _ =	vpop @p0 (xrf0)  }
0x102: {  	(v2sf) =	vpush @p0 v12, $0xF;
	v58, _, _ =	vpop (xrf0)  }
0x103: {  	(v2sf) =	vpush v58, $0xF;
	_ =	sdelay $0xd  }
0x104: {  	s1 =	spop @p0 (v2sf)  }
0x105: {  	s8 =	smov.u32 @p0 s1;
	s15 =	spop (v2sf)  }
0x106: {  	p1 =	sle.f32 s15, s8;
	_ =	sdelay $0x1  }
0x107: {  	v12 =	vlaneseq.u32 @p1  }
0x108: {  	v13 =	vor.u32 @p1 $0x20, v12  }
0x109: {  	v13 =	vor.u32 @p1 v13, v6  }
0x10a: {  	(xrf1) =	vsort.ascd.msk.f32 @p1 $0xffff, v9, v13;
	_ =	sdelay $0xb  }
0x10b: {  	v9 =	vmul.u32 @p1 $0xFFFFFFFF, v12;
	_ =	sdelay $0x1  }
0x10c: {  	v9 =	vadd.s32 @p1 $0xF, v9;
	v12, v13, _ =	vpop @p1 (xrf1)  }
0x10d: {  	v12 =	vperm.xlane @p1 v12, v9;
	v9 =	vperm.xlane @p1 v13, v9  }
0x10e: {  	v8 =	vpsel p0, v10, v8;
	v7 =	vpsel p0, v11, v7  }
0x10f: {  	vm0 =	veq.f32 @p1 v8, v12;
	vm1 =	vlt.s32 @p1 v7, v9  }
0x110: {  	vm2 =	vlt.f32 @p1 v8, v12;
	vm0 =	vmand @p1 vm0, vm1  }
0x111: {  	vm0 =	vmor @p1 vm2, vm0  }
0x112: {  	v10 =	vsel @p1 vm0, v8, v12;
	v9 =	vsel @p1 vm0, v7, v9  }
0x113: {  	(xrf1) =	vsort.ascd.msk.f32 @p1 $0xffff, v10, v9;
	_ =	sdelay $0xa  }
0x114: {  	v9 =	vld [tilespmem:s9+$0xFFFFFFF0];
	_ =	sdelay $0x2  }
0x115: {  	v10, v11, _ =	vpop @p1 (xrf1)  }
0x116: {  	(xrf0) =	vmax.scan.msk.f32 @p1 $0xffff, v10  }
0x117: {  	(xrf0) =	vmin.scan.msk.f32 $0xffff, v9;
	_ =	sdelay $0x4  }
0x118: {  	v12, _, _ =	vpop @p1 (xrf0)  }
0x119: {  	(v2sf) =	vpush @p1 v12, $0xF;
	v59, _, _ =	vpop (xrf0)  }
0x11a: {  	(v2sf) =	vpush v59, $0xF;
	_ =	sdelay $0xd  }
0x11b: {  	s1 =	spop @p1 (v2sf)  }
0x11c: {  	s8 =	smov.u32 @p1 s1;
	s16 =	spop (v2sf)  }
0x11d: {  	p0 =	sle.f32 s16, s8;
	_ =	sdelay $0x1  }
0x11e: {  	v12 =	vlaneseq.u32 @p0  }
0x11f: {  	v13 =	vor.u32 @p0 $0x30, v12  }
0x120: {  	v13 =	vor.u32 @p0 v13, v6  }
0x121: {  	(xrf1) =	vsort.ascd.msk.f32 @p0 $0xffff, v9, v13;
	_ =	sdelay $0xb  }
0x122: {  	v9 =	vmul.u32 @p0 $0xFFFFFFFF, v12;
	_ =	sdelay $0x1  }
0x123: {  	v9 =	vadd.s32 @p0 $0xF, v9;
	v12, v13, _ =	vpop @p0 (xrf1)  }
0x124: {  	v12 =	vperm.xlane @p0 v12, v9;
	v9 =	vperm.xlane @p0 v13, v9  }
0x125: {  	v8 =	vpsel p1, v10, v8;
	v7 =	vpsel p1, v11, v7  }
0x126: {  	vm0 =	veq.f32 @p0 v8, v12;
	vm1 =	vlt.s32 @p0 v7, v9  }
0x127: {  	vm2 =	vlt.f32 @p0 v8, v12;
	vm0 =	vmand @p0 vm0, vm1  }
0x128: {  	vm0 =	vmor @p0 vm2, vm0  }
0x129: {  	v10 =	vsel @p0 vm0, v8, v12;
	v9 =	vsel @p0 vm0, v7, v9  }
0x12a: {  	(xrf1) =	vsort.ascd.msk.f32 @p0 $0xffff, v10, v9;
	_ =	sdelay $0xa  }
0x12b: {  	v9 =	vld [tilespmem:s9+$0x0];
	_ =	sdelay $0x2  }
0x12c: {  	v10, v11, _ =	vpop @p0 (xrf1)  }
0x12d: {  	(xrf0) =	vmax.scan.msk.f32 @p0 $0xffff, v10  }
0x12e: {  	(xrf0) =	vmin.scan.msk.f32 $0xffff, v9;
	_ =	sdelay $0x4  }
0x12f: {  	v12, _, _ =	vpop @p0 (xrf0)  }
0x130: {  	(v2sf) =	vpush @p0 v12, $0xF;
	v60, _, _ =	vpop (xrf0)  }
0x131: {  	(v2sf) =	vpush v60, $0xF;
	_ =	sdelay $0xd  }
0x132: {  	s1 =	spop @p0 (v2sf)  }
0x133: {  	s8 =	smov.u32 @p0 s1;
	s12 =	spop (v2sf)  }
0x134: {  	p1 =	sle.f32 s12, s8;
	_ =	sdelay $0x1  }
0x135: {  	v12 =	vlaneseq.u32 @p1  }
0x136: {  	v13 =	vor.u32 @p1 $0x40, v12  }
0x137: {  	v13 =	vor.u32 @p1 v13, v6  }
0x138: {  	(xrf1) =	vsort.ascd.msk.f32 @p1 $0xffff, v9, v13;
	_ =	sdelay $0xb  }
0x139: {  	v9 =	vmul.u32 @p1 $0xFFFFFFFF, v12;
	_ =	sdelay $0x1  }
0x13a: {  	v9 =	vadd.s32 @p1 $0xF, v9;
	v12, v13, _ =	vpop @p1 (xrf1)  }
0x13b: {  	v12 =	vperm.xlane @p1 v12, v9;
	v9 =	vperm.xlane @p1 v13, v9  }
0x13c: {  	v8 =	vpsel p0, v10, v8;
	v7 =	vpsel p0, v11, v7  }
0x13d: {  	vm0 =	veq.f32 @p1 v8, v12;
	vm1 =	vlt.s32 @p1 v7, v9  }
0x13e: {  	vm2 =	vlt.f32 @p1 v8, v12;
	vm0 =	vmand @p1 vm0, vm1  }
0x13f: {  	vm0 =	vmor @p1 vm2, vm0  }
0x140: {  	v10 =	vsel @p1 vm0, v8, v12;
	v9 =	vsel @p1 vm0, v7, v9  }
0x141: {  	(xrf1) =	vsort.ascd.msk.f32 @p1 $0xffff, v10, v9;
	_ =	sdelay $0xa  }
0x142: {  	v9 =	vld [tilespmem:s9+$0x10];
	_ =	sdelay $0x2  }
0x143: {  	v10, v11, _ =	vpop @p1 (xrf1)  }
0x144: {  	(xrf0) =	vmax.scan.msk.f32 @p1 $0xffff, v10  }
0x145: {  	(xrf0) =	vmin.scan.msk.f32 $0xffff, v9;
	_ =	sdelay $0x4  }
0x146: {  	v12, _, _ =	vpop @p1 (xrf0)  }
0x147: {  	(v2sf) =	vpush @p1 v12, $0xF;
	v61, _, _ =	vpop (xrf0)  }
0x148: {  	(v2sf) =	vpush v61, $0xF;
	_ =	sdelay $0xd  }
0x149: {  	s1 =	spop @p1 (v2sf)  }
0x14a: {  	s8 =	smov.u32 @p1 s1;
	s14 =	spop (v2sf)  }
0x14b: {  	p0 =	sle.f32 s14, s8;
	_ =	sdelay $0x1  }
0x14c: {  	v12 =	vlaneseq.u32 @p0  }
0x14d: {  	v13 =	vor.u32 @p0 $0x50, v12  }
0x14e: {  	v13 =	vor.u32 @p0 v13, v6  }
0x14f: {  	(xrf1) =	vsort.ascd.msk.f32 @p0 $0xffff, v9, v13;
	_ =	sdelay $0xb  }
0x150: {  	v9 =	vmul.u32 @p0 $0xFFFFFFFF, v12;
	_ =	sdelay $0x1  }
0x151: {  	v9 =	vadd.s32 @p0 $0xF, v9;
	v12, v13, _ =	vpop @p0 (xrf1)  }
0x152: {  	v12 =	vperm.xlane @p0 v12, v9;
	v9 =	vperm.xlane @p0 v13, v9  }
0x153: {  	v8 =	vpsel p1, v10, v8;
	v7 =	vpsel p1, v11, v7  }
0x154: {  	vm0 =	veq.f32 @p0 v8, v12;
	vm1 =	vlt.s32 @p0 v7, v9  }
0x155: {  	vm2 =	vlt.f32 @p0 v8, v12;
	vm0 =	vmand @p0 vm0, vm1  }
0x156: {  	vm0 =	vmor @p0 vm2, vm0  }
0x157: {  	v10 =	vsel @p0 vm0, v8, v12;
	v9 =	vsel @p0 vm0, v7, v9  }
0x158: {  	(xrf1) =	vsort.ascd.msk.f32 @p0 $0xffff, v10, v9;
	_ =	sdelay $0xa  }
0x159: {  	v9 =	vld [tilespmem:s9+$0x20];
	_ =	sdelay $0x2  }
0x15a: {  	v10, v11, _ =	vpop @p0 (xrf1)  }
0x15b: {  	(xrf0) =	vmax.scan.msk.f32 @p0 $0xffff, v10  }
0x15c: {  	(xrf0) =	vmin.scan.msk.f32 $0xffff, v9;
	_ =	sdelay $0x4  }
0x15d: {  	v12, _, _ =	vpop @p0 (xrf0)  }
0x15e: {  	(v2sf) =	vpush @p0 v12, $0xF;
	v62, _, _ =	vpop (xrf0)  }
0x15f: {  	(v2sf) =	vpush v62, $0xF;
	_ =	sdelay $0xd  }
0x160: {  	s1 =	spop @p0 (v2sf)  }
0x161: {  	s8 =	smov.u32 @p0 s1;
	s15 =	spop (v2sf)  }
0x162: {  	p1 =	sle.f32 s15, s8;
	_ =	sdelay $0x1  }
0x163: {  	v12 =	vlaneseq.u32 @p1  }
0x164: {  	v13 =	vor.u32 @p1 $0x60, v12  }
0x165: {  	v13 =	vor.u32 @p1 v13, v6  }
0x166: {  	(xrf1) =	vsort.ascd.msk.f32 @p1 $0xffff, v9, v13;
	_ =	sdelay $0xb  }
0x167: {  	v9 =	vmul.u32 @p1 $0xFFFFFFFF, v12;
	_ =	sdelay $0x1  }
0x168: {  	v9 =	vadd.s32 @p1 $0xF, v9;
	v12, v13, _ =	vpop @p1 (xrf1)  }
0x169: {  	v12 =	vperm.xlane @p1 v12, v9;
	v9 =	vperm.xlane @p1 v13, v9  }
0x16a: {  	v8 =	vpsel p0, v10, v8;
	v7 =	vpsel p0, v11, v7  }
0x16b: {  	vm0 =	veq.f32 @p1 v8, v12;
	vm1 =	vlt.s32 @p1 v7, v9  }
0x16c: {  	vm2 =	vlt.f32 @p1 v8, v12;
	vm0 =	vmand @p1 vm0, vm1  }
0x16d: {  	vm0 =	vmor @p1 vm2, vm0  }
0x16e: {  	v10 =	vsel @p1 vm0, v8, v12;
	v9 =	vsel @p1 vm0, v7, v9  }
0x16f: {  	(xrf1) =	vsort.ascd.msk.f32 @p1 $0xffff, v10, v9;
	_ =	sdelay $0xa  }
0x170: {  	v9 =	vld [tilespmem:s9+$0x30];
	_ =	sdelay $0x2  }
0x171: {  	v10, v11, _ =	vpop @p1 (xrf1)  }
0x172: {  	(xrf0) =	vmax.scan.msk.f32 @p1 $0xffff, v10  }
0x173: {  	(xrf0) =	vmin.scan.msk.f32 $0xffff, v9;
	_ =	sdelay $0x4  }
0x174: {  	v12, _, _ =	vpop @p1 (xrf0)  }
0x175: {  	(v2sf) =	vpush @p1 v12, $0xF;
	v63, _, _ =	vpop (xrf0)  }
0x176: {  	(v2sf) =	vpush v63, $0xF;
	_ =	sdelay $0xd  }
0x177: {  	s1 =	spop @p1 (v2sf)  }
0x178: {  	s8 =	smov.u32 @p1 s1;
	s16 =	spop (v2sf)  }
0x179: {  	p0 =	sle.f32 s16, s8;
	_ =	sdelay $0x1  }
0x17a: {  	v12 =	vlaneseq.u32 @p0  }
0x17b: {  	v13 =	vor.u32 @p0 $0x70, v12  }
0x17c: {  	v6 =	vor.u32 @p0 v13, v6  }
0x17d: {  	(xrf1) =	vsort.ascd.msk.f32 @p0 $0xffff, v9, v6;
	_ =	sdelay $0xb  }
0x17e: {  	v6 =	vmul.u32 @p0 $0xFFFFFFFF, v12;
	_ =	sdelay $0x1  }
0x17f: {  	v6 =	vadd.s32 @p0 $0xF, v6;
	v9, v12, _ =	vpop @p0 (xrf1)  }
0x180: {  	v9 =	vperm.xlane @p0 v9, v6;
	v6 =	vperm.xlane @p0 v12, v6  }
0x181: {  	v8 =	vpsel p1, v10, v8;
	v7 =	vpsel p1, v11, v7  }
0x182: {  	vm0 =	veq.f32 @p0 v8, v9;
	vm1 =	vlt.s32 @p0 v7, v6  }
0x183: {  	vm2 =	vlt.f32 @p0 v8, v9;
	vm0 =	vmand @p0 vm0, vm1  }
0x184: {  	vm0 =	vmor @p0 vm2, vm0  }
0x185: {  	v9 =	vsel @p0 vm0, v8, v9;
	v6 =	vsel @p0 vm0, v7, v6  }
0x186: {  	(xrf1) =	vsort.ascd.msk.f32 @p0 $0xffff, v9, v6;
	_ =	sdelay $0xd  }
0x187: {  	v6, v9, _ =	vpop @p0 (xrf1)  }
0x188: {  	(xrf0) =	vmax.scan.msk.f32 @p0 $0xffff, v6;
	_ =	sdelay $0x5  }
0x189: {  	v10, _, _ =	vpop @p0 (xrf0)  }
0x18a: {  	(v2sf) =	vpush @p0 v10, $0xF;
	_ =	sdelay $0x9  }
0x18b: {  	s7 =	sadd.s32 $0x1, s7  }
0x18c: {  	p1 =	sne.s32 s7, $0x10  }
.Ltmp1:
0x18d: {  	_ = 	snop;
	(pc) =	sbr.rel @p1 .LBB2_5-.Ltmp1, $3  }
0x18e: {  	_ =	sdelay $0x1  }
0x18f: {  	s1 =	spop @p0 (v2sf)  }
0x190: {  	s9 =	sadd.s32 $0x80, s9;
	v8 =	vpsel p0, v6, v8;
	v7 =	vpsel p0, v9, v7;
	s8 =	smov.u32 @p0 s1  }
0x191: {  	_ =	sdelay $0x3  }
0x192: {  	v4 =	vld.idx.msk [tilespmem:v7+s10+$0x0], $0xffff;
	_ =	sdelay $0x4  }
0x193: {  	vm0 =	vgt.f32 v4, $0.0e+00  }
0x194: {  	v4 =	vsel vm0, $0x3F800000, v0  }
0x195: {  	(xrf2) =	vadd.scan.msk.f32 $0xffff, v4;
	_ =	sdelay $0x9  }
0x196: {  	(v2sf) =	vpush v5, $0xA;
	v4, _, _ =	vpop (xrf2)  }
0x197: {  	(v2sf) =	vpush v4, $0xF;
	_ =	sdelay $0xd  }
0x198: {  	s1 =	spop (v2sf)  }
0x199: {  	s7 =	spop (v2sf)  }
0x19a: {  	s8 =	sand.u32 $0x80000000, s7;
	p0 =	slt.f32 s7, $0.0e+00  }
0x19b: {  	p1 =	sgt.f32 s7, $0.0e+00;
	s8 =	sor.u32 s8, s25  }
0x19c: {  	s16 =	sadd.s32 $0xFFFFFFF0, s2;
	v4 =	vmov s2;
	s2 =	sadd.s32 $0x1, s2;
	s7 =	smov.u32 @p0 s8  }
0x19d: {  	p0 =	sne.s32 s2, $0x20;
	s7 =	smov.u32 @p1 s8  }
.Ltmp2:
0x19e: {  	s7 =	sadd.f32 s7, s7;
	(pc) =	sbr.rel @p0 .LBB2_2-.Ltmp2, $4  }
0x19f: {  	_ = 	snop  }
0x1a0: {  	v5 =	vmov s16;
	s1 =	smul.f32 s7, s1  }
0x1a1: {  	vm1 =	veq.s32 v5, v1;
	vm15 =	veq.s32 v4, v1  }
0x1a2: {  	v3 =	vsel vm15, s1, v3;
	v2 =	vsel vm1, s1, v2  }
0x1a3: {  	[tilespmem:$0x19300] =	vst v3  }
0x1a4: {  	[tilespmem:$0x19310] =	vst v2;
	s8 =	simm.s32 $0x0;
	s1 =	rddreg [dreg:$0x3];
	s2 =	simm.s32 $0x19300  }
0x1a5: {  	[hbm4b:s1+s8] =	stream.linear.scatter [tilespmem:s2], [sflag:$0x2], $0x20, $0x38;
	[tilespmem:$0x19380] =	vst v63  }
0x1a6: {  	_ =	swait.ge [sflag:s11], $0x20  }
0x1a7: {  	s15 =	rddreg [dreg:$0x5]  }
0x1a8: {  	s16 =	rddreg [dreg:$0x4];
	s2 =	sadd.s32 $0x1, s15  }
0x1a9: {  	p0 =	sne.s32 s2, s16  }
.Ltmp3:
0x1aa: {  	_ = 	snop;
	(pc) =	sbr.rel @p0 .LBB2_1-.Ltmp3, $3  }
0x1ab: {  	_ =	sdelay $0x1  }
0x1ac: {  	[sflag:s11] =	ssyncset.done $0x0  }
0x1ad: {  	[sflag:s11] =	ssyncadd.s32 $0xFFFFFFE0  }
0x1ae: {  	_ =	sfence.sel $0x180000  }
0x1af: {  	[bflag:$0x0] =	sbarrier.arrive $0xFFFF  }
0x1b0: {  	_ =	strace $0x90000047  }
0x1b1: {  	s0 =	stileid.u32;
	[bflag:$0x2] =	sbarrier.arrive $0xFFFF  }
0x1b2: {  	p0 =	sne.s32 s0, $0x0;
	s0 =	rddreg [dreg:$0x1]  }
0x1b3: {  	s0 =	sadd.s32 @!p0 $0x100000, s0  }
0x1b4: {  	[sflag:s0] =	ssyncadd.tile.s32 @!p0 $0x1;
	_ =	shalt  }
.Lfunc_end2:
_tile_overlayer_lowered:
.L_overlay_start_2:
0x1b5: {  	(tag) =	ssettag $0x2  }
0x1b6: {  	s0 =	rddreg [dreg:$0x0];
	s2 =	stileid.u32  }
0x1b7: {  	s1 =	rddreg [dreg:$0x1];
	p0 =	sne.s32 s2, $0x0  }
0x1b8: {  	s3 =	rddreg [dreg:$0x2];
	[bflag:$0x3] =	sbarrier.arrive $0xFFFF;
	s2 =	simm.s32 @!p0 $0x1C02  }
0x1b9: {  	[timem:s3], [sflag:s2] =	dma.local @!p0 [hbm:s0], s1  }
0x1ba: {  	s0 =	simm.s32 @!p0 $0x2  }
0x1bb: {  	_ =	swait.ge @!p0 [sflag:s0], s1  }
0x1bc: {  	s1 =	ssub.s32 @!p0 $0x0, s1;
	[sflag:s0] =	ssyncset.done @!p0 $0x0  }
0x1bd: {  	[sflag:s0] =	ssyncadd.s32 @!p0 s1  }
0x1be: {  	[bflag:$0x3] =	sbarrier.arrive $0xFFFF  }
0x1bf: {  	_ =	shalt  }

</sc_bundles>
